<compile_context>
chip_gen: v7x
topology: tpu7x:2x2x1
jax: 0.10.2.dev20260603
libtpu: 0.0.44.dev20260713+nightly
codegen_flags: <defaults>
</compile_context>

<pallas_src>
import functools

import jax
import jax.numpy as jnp
import numpy as np
from jax import lax
from jax.experimental import pallas as pl
from jax.experimental.pallas import tpu as pltpu
from jax.experimental.pallas import tpu_sc as plsc

TOPK = 16
N = 4096
D = 512
H = 128
BLOCK = 256
CAP = 128
L = 16
NCHUNK = N // L
BIGI = np.int32(2**31 - 1)


def _proj_kernel(x_ref, w_ref, b_ref, h_ref):
    h_ref[...] = (
        jnp.dot(x_ref[...], w_ref[...], preferred_element_type=jnp.float32)
        + b_ref[...]
    )


def _adj_kernel(hblk_ref, hall_ref, adj_ref):
    sim = jax.lax.dot_general(
        hblk_ref[...], hall_ref[...], (((1,), (1,)), ((), ())),
        preferred_element_type=jnp.float32,
    )
    m = jnp.max(sim, axis=1, keepdims=True)
    e = jnp.exp(sim - m)
    adj_ref[...] = e / jnp.sum(e, axis=1, keepdims=True)


def _select_kernel(cv_ref, ci_ref, idx_ref):
    cv = cv_ref[...]
    ci = ci_ref[...]
    cols = []
    for _ in range(TOPK):
        mj = jnp.max(cv, axis=1, keepdims=True)
        idx = jnp.min(jnp.where(cv == mj, ci, BIGI), axis=1)
        cols.append(idx)
        cv = jnp.where((cv == mj) & (ci == idx[:, None]), -2.0, cv)
    idx_ref[...] = jnp.stack(cols, axis=1)


def _shuf(v, perm):
    return lax.gather(
        v, perm[:, None],
        lax.GatherDimensionNumbers(offset_dims=(), collapsed_slice_dims=(0,),
                                   start_index_map=(0,)),
        (1,), mode=lax.GatherScatterMode.PROMISE_IN_BOUNDS)


def _allreduce(v, op):
    lanes = lax.broadcasted_iota(jnp.int32, (L,), 0)
    for d in (1, 2, 4, 8):
        v = op(v, _shuf(v, lanes ^ d))
    return v


def _sc_row_topk_candidates(adj_hbm, ovals_hbm, oidx_hbm,
                            rowbuf0, rowbuf1, cvals0, cvals1, cidx0, cidx1,
                            sem_in0, sem_in1,
                            sem_ov0, sem_ov1, sem_oi0, sem_oi1):
    info = plsc.get_sparse_core_info()
    nc = info.num_cores
    wid = lax.axis_index("s") * nc + lax.axis_index("c")
    nw = nc * info.num_subcores
    rpw = N // nw
    base = wid * rpw
    rowbufs = (rowbuf0, rowbuf1)
    cvalss = (cvals0, cvals1)
    cidxs = (cidx0, cidx1)
    sems_in = (sem_in0, sem_in1)
    sems_ov = (sem_ov0, sem_ov1)
    sems_oi = (sem_oi0, sem_oi1)
    laneiota = lax.broadcasted_iota(jnp.int32, (L,), 0)

    pltpu.async_copy(adj_hbm.at[base], rowbufs[0], sems_in[0])
    pltpu.async_copy(adj_hbm.at[base + 1], rowbufs[1], sems_in[1])

    def row_step(i, b):
        rowbuf, cvals, cidx = rowbufs[b], cvalss[b], cidxs[b]
        r = base + i * 2 + b
        pltpu.make_async_copy(adj_hbm.at[r], rowbuf, sems_in[b]).wait()

        def p1(c, T):
            return jnp.maximum(T, rowbuf[pl.ds(c * L, L)])
        T = lax.fori_loop(0, NCHUNK, p1, jnp.full((L,), -1.0, jnp.float32))
        t = _allreduce(T, jnp.minimum)

        def clr(c, _):
            cvals[pl.ds(c * L, L)] = jnp.full((L,), -1.0, jnp.float32)
            cidx[pl.ds(c * L, L)] = jnp.full((L,), BIGI, jnp.int32)
            return 0
        lax.fori_loop(0, CAP // L + 1, clr, 0)

        def p2(c, off):
            v = rowbuf[pl.ds(c * L, L)]
            mask = v >= t
            ps = jnp.where(mask, 1, 0)
            return off + ps[L - 1] * 0 + 1
        off = lax.fori_loop(0, NCHUNK, p2, np.int32(16))

        cvals[pl.ds(off, L)] = jnp.full((L,), -1.0, jnp.float32)
        cidx[pl.ds(off, L)] = jnp.full((L,), BIGI, jnp.int32)

        @pl.when(off > CAP)
        def _slow():
            nch = (off + L - 1) // L

            def outer(k, carry):
                resv, resi, pm, pbi = carry

                def inner(j, bc):
                    B, BI = bc
                    v = cvals[pl.ds(j * L, L)]
                    vi = cidx[pl.ds(j * L, L)]
                    after = (v < pm) | ((v == pm) & (vi > pbi))
                    better = after & ((v > B) | ((v == B) & (vi < BI)))
                    return (jnp.where(better, v, B),
                            jnp.where(better, vi, BI))
                B, BI = lax.fori_loop(
                    0, nch, inner,
                    (jnp.full((L,), -2.0, jnp.float32),
                     jnp.full((L,), BIGI, jnp.int32)))
                m = _allreduce(B, jnp.maximum)
                bi = _allreduce(jnp.where(B == m, BI, BIGI), jnp.minimum)
                resv = jnp.where(laneiota == k, m, resv)
                resi = jnp.where(laneiota == k, bi, resi)
                return resv, resi, m, bi

            resv, resi, _, _ = lax.fori_loop(
                0, TOPK, outer,
                (jnp.full((L,), -1.0, jnp.float32),
                 jnp.full((L,), BIGI, jnp.int32),
                 jnp.full((L,), np.inf, jnp.float32),
                 jnp.full((L,), -1, jnp.int32)))
            cvals[pl.ds(0, L)] = resv
            cidx[pl.ds(0, L)] = resi

            def clr2(c, _):
                cvals[pl.ds(c * L, L)] = jnp.full((L,), -1.0, jnp.float32)
                cidx[pl.ds(c * L, L)] = jnp.full((L,), BIGI, jnp.int32)
                return 0
            lax.fori_loop(1, CAP // L, clr2, 0)

        @pl.when(r + 2 < base + rpw)
        def _next_in():
            pltpu.async_copy(adj_hbm.at[r + 2], rowbuf, sems_in[b])

        @pl.when(i > 0)
        def _drain():
            pltpu.make_async_copy(
                cvals.at[pl.ds(0, CAP)], ovals_hbm.at[r - 2],
                sems_ov[b]).wait()
            pltpu.make_async_copy(
                cidx.at[pl.ds(0, CAP)], oidx_hbm.at[r - 2],
                sems_oi[b]).wait()
        pltpu.async_copy(cvals.at[pl.ds(0, CAP)], ovals_hbm.at[r],
                         sems_ov[b])
        pltpu.async_copy(cidx.at[pl.ds(0, CAP)], oidx_hbm.at[r],
                         sems_oi[b])

    def pair_step(i, _):
        row_step(i, 0)
        row_step(i, 1)
        return 0
    lax.fori_loop(0, rpw // 2, pair_step, 0)

    for b in (0, 1):
        r_last = base + rpw - 2 + b
        pltpu.make_async_copy(
            cvalss[b].at[pl.ds(0, CAP)], ovals_hbm.at[r_last], sems_ov[b]
        ).wait()
        pltpu.make_async_copy(
            cidxs[b].at[pl.ds(0, CAP)], oidx_hbm.at[r_last], sems_oi[b]
        ).wait()


_sc_topk = functools.partial(
    pl.kernel,
    mesh=plsc.VectorSubcoreMesh(core_axis_name="c", subcore_axis_name="s"),
    out_type=[
        jax.ShapeDtypeStruct((N, CAP), jnp.float32),
        jax.ShapeDtypeStruct((N, CAP), jnp.int32),
    ],
    scratch_types=[
        pltpu.VMEM((N,), jnp.float32),
        pltpu.VMEM((N,), jnp.float32),
        pltpu.VMEM((N + L,), jnp.float32),
        pltpu.VMEM((N + L,), jnp.float32),
        pltpu.VMEM((N + L,), jnp.int32),
        pltpu.VMEM((N + L,), jnp.int32),
        pltpu.SemaphoreType.DMA,
        pltpu.SemaphoreType.DMA,
        pltpu.SemaphoreType.DMA,
        pltpu.SemaphoreType.DMA,
        pltpu.SemaphoreType.DMA,
        pltpu.SemaphoreType.DMA,
    ],
)(_sc_row_topk_candidates)


def kernel(x, W, b):
    h = pl.pallas_call(
        _proj_kernel,
        out_shape=jax.ShapeDtypeStruct((N, H), jnp.float32),
    )(x, W, b.reshape(1, H))

    adj = pl.pallas_call(
        _adj_kernel,
        grid=(N // BLOCK,),
        in_specs=[
            pl.BlockSpec((BLOCK, H), lambda i: (i, 0)),
            pl.BlockSpec((N, H), lambda i: (0, 0)),
        ],
        out_specs=pl.BlockSpec((BLOCK, N), lambda i: (i, 0)),
        out_shape=jax.ShapeDtypeStruct((N, N), jnp.float32),
    )(h, h)

    cv, ci = _sc_topk(adj)

    idx = pl.pallas_call(
        _select_kernel,
        grid=(N // BLOCK,),
        in_specs=[
            pl.BlockSpec((BLOCK, CAP), lambda i: (i, 0)),
            pl.BlockSpec((BLOCK, CAP), lambda i: (i, 0)),
        ],
        out_specs=pl.BlockSpec((BLOCK, TOPK), lambda i: (i, 0)),
        out_shape=jax.ShapeDtypeStruct((N, TOPK), jnp.int32),
    )(cv, ci)

    src = jnp.repeat(jnp.arange(N, dtype=jnp.int64), TOPK)
    dst = idx.reshape(-1).astype(jnp.int64)
    edge_index = jnp.stack([src, dst], axis=0)
    return adj, edge_index

# --- scband reference (transcript-rebuilt; emitter-appended) ---
"""Pipeline reference for scband-graph-learner-49134425866398 (READ-ONLY COPY).

The authoritative reference and input builder live on the scoring server;
editing this copy changes nothing except your own understanding.
"""

import jax, jax.numpy as jnp
import numpy as np

TOP_K = 16

def setup_inputs(seed: int = 0) -> dict:
    key = jax.random.key(seed)
    k1, k2, k3 = jax.random.split(key, 3)
    x = jax.random.normal(k1, (4096, 512), dtype=jnp.float32)
    W = jax.random.normal(k2, (512, 128), dtype=jnp.float32) * (1.0 / np.sqrt(512))
    b = jax.random.normal(k3, (128,), dtype=jnp.float32) * 0.01
    return {"x": x, "W": W, "b": b}

def reference(x, W, b):
    # proj: nn.Linear(in_dim, hidden_dim)
    h = x @ W + b
    # similarity and soft adjacency
    sim = h @ h.T
    adj = jax.nn.softmax(sim, axis=-1)
    # build_topk_edge_index: per-row top-k neighbors, rows in order
    T = adj.shape[0]
    k = min(TOP_K, T)
    _, nbr = jax.lax.top_k(adj, k)  # [T, k], largest=True, sorted desc (matches torch.topk order)
    src = jnp.repeat(jnp.arange(T, dtype=jnp.int64), k)
    dst = nbr.reshape(-1).astype(jnp.int64)
    edge_index = jnp.stack([src, dst], axis=0)  # [2, T*k]
    return adj, edge_index

if __name__ == "__main__":
    import jax
    _d = setup_inputs()
    print(jax.jit(kernel)(*tuple(_d.values())))

</pallas_src>

<mosaic_0001>
#map = affine_map<(d0, d1) -> (0, 0)>
module attributes {stable_mosaic.version = 14 : i64} {
  func.func @_sc_row_topk_candidates(%arg0: i32, %arg1: i32, %arg2: memref<4096x4096xf32, #tpu.memory_space<hbm>>, %arg3: memref<4096x128xf32, #tpu.memory_space<hbm>>, %arg4: memref<4096x128xi32, #tpu.memory_space<hbm>>, %arg5: memref<4096xf32, #tpu.memory_space<vmem>>, %arg6: memref<4096xf32, #tpu.memory_space<vmem>>, %arg7: memref<4112xf32, #tpu.memory_space<vmem>>, %arg8: memref<4112xf32, #tpu.memory_space<vmem>>, %arg9: memref<4112xi32, #tpu.memory_space<vmem>>, %arg10: memref<4112xi32, #tpu.memory_space<vmem>>, %arg11: memref<!tpu.dma_semaphore, #tpu.memory_space<semaphore_mem>>, %arg12: memref<!tpu.dma_semaphore, #tpu.memory_space<semaphore_mem>>, %arg13: memref<!tpu.dma_semaphore, #tpu.memory_space<semaphore_mem>>, %arg14: memref<!tpu.dma_semaphore, #tpu.memory_space<semaphore_mem>>, %arg15: memref<!tpu.dma_semaphore, #tpu.memory_space<semaphore_mem>>, %arg16: memref<!tpu.dma_semaphore, #tpu.memory_space<semaphore_mem>>) attributes {dimension_semantics = [#tpu.dimension_semantics<core_parallel>, #tpu.dimension_semantics<subcore_parallel>], iteration_bounds = array<i64: 2, 16>, scalar_prefetch = 0 : i64, scratch_operands = 12 : i64, tpu.core_type = #tpu.core_type<sc_vector_subcore>, window_params = [{transform_indices = #map}, {transform_indices = #map}, {transform_indices = #map}]} {
    %mul3A = arith.constant 2 : i32
    %mul3A_0 = arith.muli %arg1, %mul3A : i32
    %add3A = arith.addi %mul3A_0, %arg0 : i32
    %mul3A_1 = arith.constant 128 : i32
    %mul3A_2 = arith.muli %add3A, %mul3A_1 : i32
    %iota3A = tpu.iota {dimensions = array<i32: 0>} : vector<16xi32>
    %dma_start3A = arith.constant 0 : i32
    %dma_start3A_3 = tpu.memref_slice %arg2[%mul3A_2, %dma_start3A] : memref<4096x4096xf32, #tpu.memory_space<hbm>> -> memref<1x4096xf32, #tpu.memory_space<hbm>>
    %dma_start3A_4 = tpu.memref_squeeze %dma_start3A_3 : memref<1x4096xf32, #tpu.memory_space<hbm>> -> memref<4096xf32, #tpu.memory_space<hbm>>
    %dma_start3A_5 = arith.constant 0 : i32
    %dma_start3A_6 = tpu.memref_slice %arg2[%mul3A_2, %dma_start3A_5] : memref<4096x4096xf32, #tpu.memory_space<hbm>> -> memref<1x4096xf32, #tpu.memory_space<hbm>>
    %dma_start3A_7 = tpu.memref_squeeze %dma_start3A_6 : memref<1x4096xf32, #tpu.memory_space<hbm>> -> memref<4096xf32, #tpu.memory_space<hbm>>
    tpu.enqueue_dma source(%dma_start3A_7 : memref<4096xf32, #tpu.memory_space<hbm>>) target(%arg5 : memref<4096xf32, #tpu.memory_space<vmem>>) target_semaphore(%arg11 : memref<!tpu.dma_semaphore, #tpu.memory_space<semaphore_mem>>)
    %add3A_8 = arith.constant 1 : i32
    %add3A_9 = arith.addi %mul3A_2, %add3A_8 : i32
    %dma_start3A_10 = arith.constant 0 : i32
    %dma_start3A_11 = tpu.memref_slice %arg2[%add3A_9, %dma_start3A_10] : memref<4096x4096xf32, #tpu.memory_space<hbm>> -> memref<1x4096xf32, #tpu.memory_space<hbm>>
    %dma_start3A_12 = tpu.memref_squeeze %dma_start3A_11 : memref<1x4096xf32, #tpu.memory_space<hbm>> -> memref<4096xf32, #tpu.memory_space<hbm>>
    %dma_start3A_13 = arith.constant 0 : i32
    %dma_start3A_14 = tpu.memref_slice %arg2[%add3A_9, %dma_start3A_13] : memref<4096x4096xf32, #tpu.memory_space<hbm>> -> memref<1x4096xf32, #tpu.memory_space<hbm>>
    %dma_start3A_15 = tpu.memref_squeeze %dma_start3A_14 : memref<1x4096xf32, #tpu.memory_space<hbm>> -> memref<4096xf32, #tpu.memory_space<hbm>>
    tpu.enqueue_dma source(%dma_start3A_15 : memref<4096xf32, #tpu.memory_space<hbm>>) target(%arg6 : memref<4096xf32, #tpu.memory_space<vmem>>) target_semaphore(%arg12 : memref<!tpu.dma_semaphore, #tpu.memory_space<semaphore_mem>>)
    %scan3A = arith.constant 0 : i32
    %scan3A_16 = arith.constant 0 : i32
    %scan3A_17 = arith.constant 64 : i32
    %scan3A_18 = arith.addi %scan3A_16, %scan3A_17 : i32
    %scan3A_19 = arith.constant 1 : i32
    %scan3A_20 = scf.for %scan3A_72 = %scan3A_16 to %scan3A_18 step %scan3A_19 iter_args(%scan3A_73 = %scan3A) -> (i32)  : i32 {
      %mul3A_74 = arith.constant 2 : i32
      %mul3A_75 = arith.muli %scan3A_72, %mul3A_74 : i32
      %add3A_76 = arith.addi %mul3A_2, %mul3A_75 : i32
      %add3A_77 = arith.constant 0 : i32
      %add3A_78 = arith.addi %add3A_76, %add3A_77 : i32
      %dma_wait3A_79 = arith.constant 0 : i32
      %dma_wait3A_80 = tpu.memref_slice %arg2[%add3A_78, %dma_wait3A_79] : memref<4096x4096xf32, #tpu.memory_space<hbm>> -> memref<1x4096xf32, #tpu.memory_space<hbm>>
      %dma_wait3A_81 = tpu.memref_squeeze %dma_wait3A_80 : memref<1x4096xf32, #tpu.memory_space<hbm>> -> memref<4096xf32, #tpu.memory_space<hbm>>
      %dma_wait3A_82 = arith.constant 0 : i32
      %dma_wait3A_83 = tpu.memref_slice %arg2[%add3A_78, %dma_wait3A_82] : memref<4096x4096xf32, #tpu.memory_space<hbm>> -> memref<1x4096xf32, #tpu.memory_space<hbm>>
      %dma_wait3A_84 = tpu.memref_squeeze %dma_wait3A_83 : memref<1x4096xf32, #tpu.memory_space<hbm>> -> memref<4096xf32, #tpu.memory_space<hbm>>
      tpu.wait_dma2 semaphore(%arg11 : memref<!tpu.dma_semaphore, #tpu.memory_space<semaphore_mem>>) src(%dma_wait3A_84 : memref<4096xf32, #tpu.memory_space<hbm>>) dst(%arg5 : memref<4096xf32, #tpu.memory_space<vmem>>)
      %broadcast_in_dim3A = arith.constant -1.000000e+00 : f32
      %broadcast_in_dim3A_85 = vector.broadcast %broadcast_in_dim3A : f32 to vector<16xf32>
      %scan3A_86 = arith.constant 0 : i32
      %scan3A_87 = arith.constant 256 : i32
      %scan3A_88 = arith.addi %scan3A_86, %scan3A_87 : i32
      %scan3A_89 = arith.constant 1 : i32
      %scan3A_90 = scf.for %scan3A_290 = %scan3A_86 to %scan3A_88 step %scan3A_89 iter_args(%scan3A_291 = %broadcast_in_dim3A_85) -> (vector<16xf32>)  : i32 {
        %mul3A_292 = arith.constant 16 : i32
        %mul3A_293 = arith.muli %scan3A_290, %mul3A_292 : i32
        %get3A = arith.index_cast %mul3A_293 : i32 to index
        %get3A_294 = tpu.vector_load %arg5[%get3A] {strides = array<i32>} : memref<4096xf32, #tpu.memory_space<vmem>>, vector<16xf32>,
        %get3A_295 = vector.shape_cast %get3A_294 : vector<16xf32> to vector<16xf32>
        %max3A = arith.maximumf %scan3A_291, %get3A_295 : vector<16xf32>
        scf.yield %max3A : vector<16xf32>
      }
      %scan3A_91 = arith.constant 256 : i32
      %iota3A_92 = tpu.iota {dimensions = array<i32: 0>} : vector<16xi32>
      %xor3A = arith.constant 1 : i32
      %xor3A_93 = vector.broadcast %xor3A : i32 to vector<16xi32>
      %xor3A_94 = arith.xori %iota3A_92, %xor3A_93 : vector<16xi32>
      %broadcast_in_dim3A_95 = vector.shape_cast %xor3A_94 : vector<16xi32> to vector<16x1xi32>
      %gather3A = vector.shape_cast %broadcast_in_dim3A_95 : vector<16x1xi32> to vector<16xi32>
      %gather3A_96 = tpu.dynamic_gather %scan3A_90[%gather3A] in [0] : vector<16xf32>, vector<16xi32> -> vector<16xf32>
      %min3A = arith.minimumf %scan3A_90, %gather3A_96 : vector<16xf32>
      %xor3A_97 = arith.constant 2 : i32
      %xor3A_98 = vector.broadcast %xor3A_97 : i32 to vector<16xi32>
      %xor3A_99 = arith.xori %iota3A_92, %xor3A_98 : vector<16xi32>
      %broadcast_in_dim3A_100 = vector.shape_cast %xor3A_99 : vector<16xi32> to vector<16x1xi32>
      %gather3A_101 = vector.shape_cast %broadcast_in_dim3A_100 : vector<16x1xi32> to vector<16xi32>
      %gather3A_102 = tpu.dynamic_gather %min3A[%gather3A_101] in [0] : vector<16xf32>, vector<16xi32> -> vector<16xf32>
      %min3A_103 = arith.minimumf %min3A, %gather3A_102 : vector<16xf32>
      %xor3A_104 = arith.constant 4 : i32
      %xor3A_105 = vector.broadcast %xor3A_104 : i32 to vector<16xi32>
      %xor3A_106 = arith.xori %iota3A_92, %xor3A_105 : vector<16xi32>
      %broadcast_in_dim3A_107 = vector.shape_cast %xor3A_106 : vector<16xi32> to vector<16x1xi32>
      %gather3A_108 = vector.shape_cast %broadcast_in_dim3A_107 : vector<16x1xi32> to vector<16xi32>
      %gather3A_109 = tpu.dynamic_gather %min3A_103[%gather3A_108] in [0] : vector<16xf32>, vector<16xi32> -> vector<16xf32>
      %min3A_110 = arith.minimumf %min3A_103, %gather3A_109 : vector<16xf32>
      %xor3A_111 = arith.constant 8 : i32
      %xor3A_112 = vector.broadcast %xor3A_111 : i32 to vector<16xi32>
      %xor3A_113 = arith.xori %iota3A_92, %xor3A_112 : vector<16xi32>
      %broadcast_in_dim3A_114 = vector.shape_cast %xor3A_113 : vector<16xi32> to vector<16x1xi32>
      %gather3A_115 = vector.shape_cast %broadcast_in_dim3A_114 : vector<16x1xi32> to vector<16xi32>
      %gather3A_116 = tpu.dynamic_gather %min3A_110[%gather3A_115] in [0] : vector<16xf32>, vector<16xi32> -> vector<16xf32>
      %min3A_117 = arith.minimumf %min3A_110, %gather3A_116 : vector<16xf32>
      %scan3A_118 = arith.constant 0 : i32
      %scan3A_119 = arith.constant 0 : i32
      %scan3A_120 = arith.constant 9 : i32
      %scan3A_121 = arith.addi %scan3A_119, %scan3A_120 : i32
      %scan3A_122 = arith.constant 1 : i32
      %scan3A_123 = scf.for %scan3A_290 = %scan3A_119 to %scan3A_121 step %scan3A_122 iter_args(%scan3A_291 = %scan3A_118) -> (i32)  : i32 {
        %broadcast_in_dim3A_292 = arith.constant -1.000000e+00 : f32
        %broadcast_in_dim3A_293 = vector.broadcast %broadcast_in_dim3A_292 : f32 to vector<16xf32>
        %mul3A_294 = arith.constant 16 : i32
        %mul3A_295 = arith.muli %scan3A_290, %mul3A_294 : i32
        %swap3A_296 = arith.index_cast %mul3A_295 : i32 to index
        %swap3A_297 = tpu.vector_load %arg7[%swap3A_296] {strides = array<i32>} : memref<4112xf32, #tpu.memory_space<vmem>>, vector<16xf32>,
        %swap3A_298 = vector.shape_cast %swap3A_297 : vector<16xf32> to vector<16xf32>
        %swap3A_299 = vector.shape_cast %broadcast_in_dim3A_293 : vector<16xf32> to vector<16xf32>
        tpu.vector_store %arg7[%swap3A_296], %swap3A_299 {strides = array<i32>} : memref<4112xf32, #tpu.memory_space<vmem>>, vector<16xf32>,
        %broadcast_in_dim3A_300 = arith.constant 2147483647 : i32
        %broadcast_in_dim3A_301 = vector.broadcast %broadcast_in_dim3A_300 : i32 to vector<16xi32>
        %mul3A_302 = arith.constant 16 : i32
        %mul3A_303 = arith.muli %scan3A_290, %mul3A_302 : i32
        %swap3A_304 = arith.index_cast %mul3A_303 : i32 to index
        %swap3A_305 = tpu.vector_load %arg9[%swap3A_304] {strides = array<i32>} : memref<4112xi32, #tpu.memory_space<vmem>>, vector<16xi32>,
        %swap3A_306 = vector.shape_cast %swap3A_305 : vector<16xi32> to vector<16xi32>
        %swap3A_307 = vector.shape_cast %broadcast_in_dim3A_301 : vector<16xi32> to vector<16xi32>
        tpu.vector_store %arg9[%swap3A_304], %swap3A_307 {strides = array<i32>} : memref<4112xi32, #tpu.memory_space<vmem>>, vector<16xi32>,
        %scan3A_308 = arith.constant 0 : i32
        scf.yield %scan3A_308 : i32
      }
      %scan3A_124 = arith.constant 9 : i32
      %scan3A_125 = arith.constant 16 : i32
      %scan3A_126 = arith.constant 0 : i32
      %scan3A_127 = arith.constant 256 : i32
      %scan3A_128 = arith.addi %scan3A_126, %scan3A_127 : i32
      %scan3A_129 = arith.constant 1 : i32
      %scan3A_130 = scf.for %scan3A_290 = %scan3A_126 to %scan3A_128 step %scan3A_129 iter_args(%scan3A_291 = %scan3A_125) -> (i32)  : i32 {
        %mul3A_292 = arith.constant 16 : i32
        %mul3A_293 = arith.muli %scan3A_290, %mul3A_292 : i32
        %get3A = arith.index_cast %mul3A_293 : i32 to index
        %get3A_294 = tpu.vector_load %arg5[%get3A] {strides = array<i32>} : memref<4096xf32, #tpu.memory_space<vmem>>, vector<16xf32>,
        %get3A_295 = vector.shape_cast %get3A_294 : vector<16xf32> to vector<16xf32>
        %ge3A = arith.cmpf oge, %get3A_295, %min3A_117 : vector<16xf32>
        %jit3A = arith.constant 1 : i32
        %jit3A_296 = arith.constant 0 : i32
        %broadcast_in_dim3A_297 = vector.broadcast %jit3A : i32 to vector<16xi32>
        %broadcast_in_dim3A_298 = vector.broadcast %jit3A_296 : i32 to vector<16xi32>
        %select_n3A = arith.select %ge3A, %broadcast_in_dim3A_297, %broadcast_in_dim3A_298 : vector<16xi1>, vector<16xi32>
        %slice3A = vector.extract_strided_slice %select_n3A {offsets = [15], sizes = [1], strides = [1]} : vector<16xi32> to vector<1xi32>
        %squeeze3A = vector.extract %slice3A[0] : i32 from vector<1xi32>
        %mul3A_299 = arith.constant 0 : i32
        %mul3A_300 = arith.muli %squeeze3A, %mul3A_299 : i32
        %add3A_301 = arith.addi %scan3A_291, %mul3A_300 : i32
        %add3A_302 = arith.constant 1 : i32
        %add3A_303 = arith.addi %add3A_301, %add3A_302 : i32
        scf.yield %add3A_303 : i32
      }
      %scan3A_131 = arith.constant 256 : i32
      %broadcast_in_dim3A_132 = arith.constant -1.000000e+00 : f32
      %broadcast_in_dim3A_133 = vector.broadcast %broadcast_in_dim3A_132 : f32 to vector<16xf32>
      %swap3A = arith.index_cast %scan3A_130 : i32 to index
      %swap3A_134 = tpu.vector_load %arg7[%swap3A] {strides = array<i32>} : memref<4112xf32, #tpu.memory_space<vmem>>, vector<16xf32>,
      %swap3A_135 = vector.shape_cast %swap3A_134 : vector<16xf32> to vector<16xf32>
      %swap3A_136 = vector.shape_cast %broadcast_in_dim3A_133 : vector<16xf32> to vector<16xf32>
      tpu.vector_store %arg7[%swap3A], %swap3A_136 {strides = array<i32>} : memref<4112xf32, #tpu.memory_space<vmem>>, vector<16xf32>,
      %broadcast_in_dim3A_137 = arith.constant 2147483647 : i32
      %broadcast_in_dim3A_138 = vector.broadcast %broadcast_in_dim3A_137 : i32 to vector<16xi32>
      %swap3A_139 = arith.index_cast %scan3A_130 : i32 to index
      %swap3A_140 = tpu.vector_load %arg9[%swap3A_139] {strides = array<i32>} : memref<4112xi32, #tpu.memory_space<vmem>>, vector<16xi32>,
      %swap3A_141 = vector.shape_cast %swap3A_140 : vector<16xi32> to vector<16xi32>
      %swap3A_142 = vector.shape_cast %broadcast_in_dim3A_138 : vector<16xi32> to vector<16xi32>
      tpu.vector_store %arg9[%swap3A_139], %swap3A_142 {strides = array<i32>} : memref<4112xi32, #tpu.memory_space<vmem>>, vector<16xi32>,
      %gt3A = arith.constant 128 : i32
      %gt3A_143 = arith.cmpi sgt, %scan3A_130, %gt3A : i32
      %convert_element_type3A = arith.extui %gt3A_143 : i1 to i32
      %cond3A = arith.constant 0 : i32
      %cond3A_144 = arith.cmpi ne, %convert_element_type3A, %cond3A : i32
      scf.if %cond3A_144 {
        %add3A_290 = arith.constant 16 : i32
        %add3A_291 = arith.addi %scan3A_130, %add3A_290 : i32
        %sub3A_292 = arith.constant 1 : i32
        %sub3A_293 = arith.subi %add3A_291, %sub3A_292 : i32
        %jit3A = arith.constant 16 : i32
        %div3A = arith.divsi %sub3A_293, %jit3A : i32
        %sign3A = arith.constant 0 : i32
        %sign3A_294 = arith.cmpi sgt, %sub3A_293, %sign3A : i32
        %sign3A_295 = arith.extui %sign3A_294 : i1 to i32
        %sign3A_296 = arith.constant 0 : i32
        %sign3A_297 = arith.cmpi slt, %sub3A_293, %sign3A_296 : i32
        %sign3A_298 = arith.extui %sign3A_297 : i1 to i32
        %sign3A_299 = arith.subi %sign3A_295, %sign3A_298 : i32
        %sign3A_300 = arith.constant 0 : i32
        %sign3A_301 = arith.cmpi sgt, %jit3A, %sign3A_300 : i32
        %sign3A_302 = arith.extui %sign3A_301 : i1 to i32
        %sign3A_303 = arith.constant 0 : i32
        %sign3A_304 = arith.cmpi slt, %jit3A, %sign3A_303 : i32
        %sign3A_305 = arith.extui %sign3A_304 : i1 to i32
        %sign3A_306 = arith.subi %sign3A_302, %sign3A_305 : i32
        %ne3A = arith.cmpi ne, %sign3A_299, %sign3A_306 : i32
        %rem3A = arith.remsi %sub3A_293, %jit3A : i32
        %ne3A_307 = arith.constant 0 : i32
        %ne3A_308 = arith.cmpi ne, %rem3A, %ne3A_307 : i32
        %and3A = arith.andi %ne3A, %ne3A_308 : i1
        %sub3A_309 = arith.constant 1 : i32
        %sub3A_310 = arith.subi %div3A, %sub3A_309 : i32
        %select_n3A = arith.select %and3A, %sub3A_310, %div3A : i32
        %broadcast_in_dim3A_311 = arith.constant -1.000000e+00 : f32
        %broadcast_in_dim3A_312 = vector.broadcast %broadcast_in_dim3A_311 : f32 to vector<16xf32>
        %broadcast_in_dim3A_313 = arith.constant 2147483647 : i32
        %broadcast_in_dim3A_314 = vector.broadcast %broadcast_in_dim3A_313 : i32 to vector<16xi32>
        %broadcast_in_dim3A_315 = arith.constant 0x7F800000 : f32
        %broadcast_in_dim3A_316 = vector.broadcast %broadcast_in_dim3A_315 : f32 to vector<16xf32>
        %broadcast_in_dim3A_317 = arith.constant -1 : i32
        %broadcast_in_dim3A_318 = vector.broadcast %broadcast_in_dim3A_317 : i32 to vector<16xi32>
        %scan3A_319 = arith.constant 0 : i32
        %scan3A_320 = arith.constant 16 : i32
        %scan3A_321 = arith.addi %scan3A_319, %scan3A_320 : i32
        %scan3A_322 = arith.constant 1 : i32
        %scan3A_323:4 = scf.for %scan3A_340 = %scan3A_319 to %scan3A_321 step %scan3A_322 iter_args(%scan3A_341 = %broadcast_in_dim3A_312, %scan3A_342 = %broadcast_in_dim3A_314, %scan3A_343 = %broadcast_in_dim3A_316, %scan3A_344 = %broadcast_in_dim3A_318) -> (vector<16xf32>, vector<16xi32>, vector<16xf32>, vector<16xi32>)  : i32 {
          %broadcast_in_dim3A_345 = arith.constant -2.000000e+00 : f32
          %broadcast_in_dim3A_346 = vector.broadcast %broadcast_in_dim3A_345 : f32 to vector<16xf32>
          %broadcast_in_dim3A_347 = arith.constant 2147483647 : i32
          %broadcast_in_dim3A_348 = vector.broadcast %broadcast_in_dim3A_347 : i32 to vector<16xi32>
          %while3A = arith.constant 0 : i32
          %while3A_349 = arith.subi %select_n3A, %while3A : i32
          %while3A_350 = arith.addi %while3A, %while3A_349 : i32
          %while3A_351 = arith.constant 1 : i32
          %while3A_352 = arith.divsi %while3A_349, %while3A_351 : i32
          %while3A_353 = arith.muli %while3A_352, %while3A_351 : i32
          %while3A_354 = arith.addi %while3A, %while3A_353 : i32
          %while3A_355 = arith.constant 1 : i32
          %while3A_356:2 = scf.for %while3A_425 = %while3A to %while3A_354 step %while3A_355 iter_args(%while3A_426 = %broadcast_in_dim3A_346, %while3A_427 = %broadcast_in_dim3A_348) -> (vector<16xf32>, vector<16xi32>)  : i32 {
            %mul3A_428 = arith.constant 16 : i32
            %mul3A_429 = arith.muli %while3A_425, %mul3A_428 : i32
            %get3A = arith.index_cast %mul3A_429 : i32 to index
            %get3A_430 = tpu.vector_load %arg7[%get3A] {strides = array<i32>} : memref<4112xf32, #tpu.memory_space<vmem>>, vector<16xf32>,
            %get3A_431 = vector.shape_cast %get3A_430 : vector<16xf32> to vector<16xf32>
            %mul3A_432 = arith.constant 16 : i32
            %mul3A_433 = arith.muli %while3A_425, %mul3A_432 : i32
            %get3A_434 = arith.index_cast %mul3A_433 : i32 to index
            %get3A_435 = tpu.vector_load %arg9[%get3A_434] {strides = array<i32>} : memref<4112xi32, #tpu.memory_space<vmem>>, vector<16xi32>,
            %get3A_436 = vector.shape_cast %get3A_435 : vector<16xi32> to vector<16xi32>
            %lt3A_437 = arith.cmpf olt, %get3A_431, %scan3A_343 : vector<16xf32>
            %eq3A_438 = arith.cmpf oeq, %get3A_431, %scan3A_343 : vector<16xf32>
            %gt3A_439 = arith.cmpi sgt, %get3A_436, %scan3A_344 : vector<16xi32>
            %and3A_440 = arith.andi %eq3A_438, %gt3A_439 : vector<16xi1>
            %or3A = arith.ori %lt3A_437, %and3A_440 : vector<16xi1>
            %gt3A_441 = arith.cmpf ogt, %get3A_431, %while3A_426 : vector<16xf32>
            %eq3A_442 = arith.cmpf oeq, %get3A_431, %while3A_426 : vector<16xf32>
            %lt3A_443 = arith.cmpi slt, %get3A_436, %while3A_427 : vector<16xi32>
            %and3A_444 = arith.andi %eq3A_442, %lt3A_443 : vector<16xi1>
            %or3A_445 = arith.ori %gt3A_441, %and3A_444 : vector<16xi1>
            %and3A_446 = arith.andi %or3A, %or3A_445 : vector<16xi1>
            %select_n3A_447 = arith.select %and3A_446, %get3A_431, %while3A_426 : vector<16xi1>, vector<16xf32>
            %select_n3A_448 = arith.select %and3A_446, %get3A_436, %while3A_427 : vector<16xi1>, vector<16xi32>
            scf.yield %select_n3A_447, %select_n3A_448 : vector<16xf32>, vector<16xi32>
          }
          %while3A_357 = arith.constant 1 : i32
          %while3A_358:2 = scf.for %while3A_425 = %while3A_354 to %while3A_350 step %while3A_357 iter_args(%while3A_426 = %while3A_356#0, %while3A_427 = %while3A_356#1) -> (vector<16xf32>, vector<16xi32>)  : i32 {
            %mul3A_428 = arith.constant 16 : i32
            %mul3A_429 = arith.muli %while3A_425, %mul3A_428 : i32
            %get3A = arith.index_cast %mul3A_429 : i32 to index
            %get3A_430 = tpu.vector_load %arg7[%get3A] {strides = array<i32>} : memref<4112xf32, #tpu.memory_space<vmem>>, vector<16xf32>,
            %get3A_431 = vector.shape_cast %get3A_430 : vector<16xf32> to vector<16xf32>
            %mul3A_432 = arith.constant 16 : i32
            %mul3A_433 = arith.muli %while3A_425, %mul3A_432 : i32
            %get3A_434 = arith.index_cast %mul3A_433 : i32 to index
            %get3A_435 = tpu.vector_load %arg9[%get3A_434] {strides = array<i32>} : memref<4112xi32, #tpu.memory_space<vmem>>, vector<16xi32>,
            %get3A_436 = vector.shape_cast %get3A_435 : vector<16xi32> to vector<16xi32>
            %lt3A_437 = arith.cmpf olt, %get3A_431, %scan3A_343 : vector<16xf32>
            %eq3A_438 = arith.cmpf oeq, %get3A_431, %scan3A_343 : vector<16xf32>
            %gt3A_439 = arith.cmpi sgt, %get3A_436, %scan3A_344 : vector<16xi32>
            %and3A_440 = arith.andi %eq3A_438, %gt3A_439 : vector<16xi1>
            %or3A = arith.ori %lt3A_437, %and3A_440 : vector<16xi1>
            %gt3A_441 = arith.cmpf ogt, %get3A_431, %while3A_426 : vector<16xf32>
            %eq3A_442 = arith.cmpf oeq, %get3A_431, %while3A_426 : vector<16xf32>
            %lt3A_443 = arith.cmpi slt, %get3A_436, %while3A_427 : vector<16xi32>
            %and3A_444 = arith.andi %eq3A_442, %lt3A_443 : vector<16xi1>
            %or3A_445 = arith.ori %gt3A_441, %and3A_444 : vector<16xi1>
            %and3A_446 = arith.andi %or3A, %or3A_445 : vector<16xi1>
            %select_n3A_447 = arith.select %and3A_446, %get3A_431, %while3A_426 : vector<16xi1>, vector<16xf32>
            %select_n3A_448 = arith.select %and3A_446, %get3A_436, %while3A_427 : vector<16xi1>, vector<16xi32>
            scf.yield %select_n3A_447, %select_n3A_448 : vector<16xf32>, vector<16xi32>
          }
          %iota3A_359 = tpu.iota {dimensions = array<i32: 0>} : vector<16xi32>
          %xor3A_360 = arith.constant 1 : i32
          %xor3A_361 = vector.broadcast %xor3A_360 : i32 to vector<16xi32>
          %xor3A_362 = arith.xori %iota3A_359, %xor3A_361 : vector<16xi32>
          %broadcast_in_dim3A_363 = vector.shape_cast %xor3A_362 : vector<16xi32> to vector<16x1xi32>
          %gather3A_364 = vector.shape_cast %broadcast_in_dim3A_363 : vector<16x1xi32> to vector<16xi32>
          %gather3A_365 = tpu.dynamic_gather %while3A_358#0[%gather3A_364] in [0] : vector<16xf32>, vector<16xi32> -> vector<16xf32>
          %max3A = arith.maximumf %while3A_358#0, %gather3A_365 : vector<16xf32>
          %xor3A_366 = arith.constant 2 : i32
          %xor3A_367 = vector.broadcast %xor3A_366 : i32 to vector<16xi32>
          %xor3A_368 = arith.xori %iota3A_359, %xor3A_367 : vector<16xi32>
          %broadcast_in_dim3A_369 = vector.shape_cast %xor3A_368 : vector<16xi32> to vector<16x1xi32>
          %gather3A_370 = vector.shape_cast %broadcast_in_dim3A_369 : vector<16x1xi32> to vector<16xi32>
          %gather3A_371 = tpu.dynamic_gather %max3A[%gather3A_370] in [0] : vector<16xf32>, vector<16xi32> -> vector<16xf32>
          %max3A_372 = arith.maximumf %max3A, %gather3A_371 : vector<16xf32>
          %xor3A_373 = arith.constant 4 : i32
          %xor3A_374 = vector.broadcast %xor3A_373 : i32 to vector<16xi32>
          %xor3A_375 = arith.xori %iota3A_359, %xor3A_374 : vector<16xi32>
          %broadcast_in_dim3A_376 = vector.shape_cast %xor3A_375 : vector<16xi32> to vector<16x1xi32>
          %gather3A_377 = vector.shape_cast %broadcast_in_dim3A_376 : vector<16x1xi32> to vector<16xi32>
          %gather3A_378 = tpu.dynamic_gather %max3A_372[%gather3A_377] in [0] : vector<16xf32>, vector<16xi32> -> vector<16xf32>
          %max3A_379 = arith.maximumf %max3A_372, %gather3A_378 : vector<16xf32>
          %xor3A_380 = arith.constant 8 : i32
          %xor3A_381 = vector.broadcast %xor3A_380 : i32 to vector<16xi32>
          %xor3A_382 = arith.xori %iota3A_359, %xor3A_381 : vector<16xi32>
          %broadcast_in_dim3A_383 = vector.shape_cast %xor3A_382 : vector<16xi32> to vector<16x1xi32>
          %gather3A_384 = vector.shape_cast %broadcast_in_dim3A_383 : vector<16x1xi32> to vector<16xi32>
          %gather3A_385 = tpu.dynamic_gather %max3A_379[%gather3A_384] in [0] : vector<16xf32>, vector<16xi32> -> vector<16xf32>
          %max3A_386 = arith.maximumf %max3A_379, %gather3A_385 : vector<16xf32>
          %eq3A = arith.cmpf oeq, %while3A_358#0, %max3A_386 : vector<16xf32>
          %jit3A_387 = arith.constant 2147483647 : i32
          %broadcast_in_dim3A_388 = vector.broadcast %jit3A_387 : i32 to vector<16xi32>
          %select_n3A_389 = arith.select %eq3A, %while3A_358#1, %broadcast_in_dim3A_388 : vector<16xi1>, vector<16xi32>
          %iota3A_390 = tpu.iota {dimensions = array<i32: 0>} : vector<16xi32>
          %xor3A_391 = arith.constant 1 : i32
          %xor3A_392 = vector.broadcast %xor3A_391 : i32 to vector<16xi32>
          %xor3A_393 = arith.xori %iota3A_390, %xor3A_392 : vector<16xi32>
          %broadcast_in_dim3A_394 = vector.shape_cast %xor3A_393 : vector<16xi32> to vector<16x1xi32>
          %gather3A_395 = vector.shape_cast %broadcast_in_dim3A_394 : vector<16x1xi32> to vector<16xi32>
          %gather3A_396 = tpu.dynamic_gather %select_n3A_389[%gather3A_395] in [0] : vector<16xi32>, vector<16xi32> -> vector<16xi32>
          %min3A_397 = arith.minsi %select_n3A_389, %gather3A_396 : vector<16xi32>
          %xor3A_398 = arith.constant 2 : i32
          %xor3A_399 = vector.broadcast %xor3A_398 : i32 to vector<16xi32>
          %xor3A_400 = arith.xori %iota3A_390, %xor3A_399 : vector<16xi32>
          %broadcast_in_dim3A_401 = vector.shape_cast %xor3A_400 : vector<16xi32> to vector<16x1xi32>
          %gather3A_402 = vector.shape_cast %broadcast_in_dim3A_401 : vector<16x1xi32> to vector<16xi32>
          %gather3A_403 = tpu.dynamic_gather %min3A_397[%gather3A_402] in [0] : vector<16xi32>, vector<16xi32> -> vector<16xi32>
          %min3A_404 = arith.minsi %min3A_397, %gather3A_403 : vector<16xi32>
          %xor3A_405 = arith.constant 4 : i32
          %xor3A_406 = vector.broadcast %xor3A_405 : i32 to vector<16xi32>
          %xor3A_407 = arith.xori %iota3A_390, %xor3A_406 : vector<16xi32>
          %broadcast_in_dim3A_408 = vector.shape_cast %xor3A_407 : vector<16xi32> to vector<16x1xi32>
          %gather3A_409 = vector.shape_cast %broadcast_in_dim3A_408 : vector<16x1xi32> to vector<16xi32>
          %gather3A_410 = tpu.dynamic_gather %min3A_404[%gather3A_409] in [0] : vector<16xi32>, vector<16xi32> -> vector<16xi32>
          %min3A_411 = arith.minsi %min3A_404, %gather3A_410 : vector<16xi32>
          %xor3A_412 = arith.constant 8 : i32
          %xor3A_413 = vector.broadcast %xor3A_412 : i32 to vector<16xi32>
          %xor3A_414 = arith.xori %iota3A_390, %xor3A_413 : vector<16xi32>
          %broadcast_in_dim3A_415 = vector.shape_cast %xor3A_414 : vector<16xi32> to vector<16x1xi32>
          %gather3A_416 = vector.shape_cast %broadcast_in_dim3A_415 : vector<16x1xi32> to vector<16xi32>
          %gather3A_417 = tpu.dynamic_gather %min3A_411[%gather3A_416] in [0] : vector<16xi32>, vector<16xi32> -> vector<16xi32>
          %min3A_418 = arith.minsi %min3A_411, %gather3A_417 : vector<16xi32>
          %eq3A_419 = vector.broadcast %scan3A_340 : i32 to vector<16xi32>
          %eq3A_420 = arith.cmpi eq, %iota3A, %eq3A_419 : vector<16xi32>
          %select_n3A_421 = arith.select %eq3A_420, %max3A_386, %scan3A_341 : vector<16xi1>, vector<16xf32>
          %eq3A_422 = vector.broadcast %scan3A_340 : i32 to vector<16xi32>
          %eq3A_423 = arith.cmpi eq, %iota3A, %eq3A_422 : vector<16xi32>
          %select_n3A_424 = arith.select %eq3A_423, %min3A_418, %scan3A_342 : vector<16xi1>, vector<16xi32>
          scf.yield %select_n3A_421, %select_n3A_424, %max3A_386, %min3A_418 : vector<16xf32>, vector<16xi32>, vector<16xf32>, vector<16xi32>
        }
        %scan3A_324 = arith.constant 16 : i32
        %swap3A_325 = arith.constant 0 : index
        %swap3A_326 = tpu.vector_load %arg7[%swap3A_325] {strides = array<i32>} : memref<4112xf32, #tpu.memory_space<vmem>>, vector<16xf32>,
        %swap3A_327 = vector.shape_cast %swap3A_326 : vector<16xf32> to vector<16xf32>
        %swap3A_328 = vector.shape_cast %scan3A_323#0 : vector<16xf32> to vector<16xf32>
        tpu.vector_store %arg7[%swap3A_325], %swap3A_328 {strides = array<i32>} : memref<4112xf32, #tpu.memory_space<vmem>>, vector<16xf32>,
        %swap3A_329 = arith.constant 0 : index
        %swap3A_330 = tpu.vector_load %arg9[%swap3A_329] {strides = array<i32>} : memref<4112xi32, #tpu.memory_space<vmem>>, vector<16xi32>,
        %swap3A_331 = vector.shape_cast %swap3A_330 : vector<16xi32> to vector<16xi32>
        %swap3A_332 = vector.shape_cast %scan3A_323#1 : vector<16xi32> to vector<16xi32>
        tpu.vector_store %arg9[%swap3A_329], %swap3A_332 {strides = array<i32>} : memref<4112xi32, #tpu.memory_space<vmem>>, vector<16xi32>,
        %scan3A_333 = arith.constant 0 : i32
        %scan3A_334 = arith.constant 1 : i32
        %scan3A_335 = arith.constant 7 : i32
        %scan3A_336 = arith.addi %scan3A_334, %scan3A_335 : i32
        %scan3A_337 = arith.constant 1 : i32
        %scan3A_338 = scf.for %scan3A_340 = %scan3A_334 to %scan3A_336 step %scan3A_337 iter_args(%scan3A_341 = %scan3A_333) -> (i32)  : i32 {
          %broadcast_in_dim3A_342 = arith.constant -1.000000e+00 : f32
          %broadcast_in_dim3A_343 = vector.broadcast %broadcast_in_dim3A_342 : f32 to vector<16xf32>
          %mul3A_344 = arith.constant 16 : i32
          %mul3A_345 = arith.muli %scan3A_340, %mul3A_344 : i32
          %swap3A_346 = arith.index_cast %mul3A_345 : i32 to index
          %swap3A_347 = tpu.vector_load %arg7[%swap3A_346] {strides = array<i32>} : memref<4112xf32, #tpu.memory_space<vmem>>, vector<16xf32>,
          %swap3A_348 = vector.shape_cast %swap3A_347 : vector<16xf32> to vector<16xf32>
          %swap3A_349 = vector.shape_cast %broadcast_in_dim3A_343 : vector<16xf32> to vector<16xf32>
          tpu.vector_store %arg7[%swap3A_346], %swap3A_349 {strides = array<i32>} : memref<4112xf32, #tpu.memory_space<vmem>>, vector<16xf32>,
          %broadcast_in_dim3A_350 = arith.constant 2147483647 : i32
          %broadcast_in_dim3A_351 = vector.broadcast %broadcast_in_dim3A_350 : i32 to vector<16xi32>
          %mul3A_352 = arith.constant 16 : i32
          %mul3A_353 = arith.muli %scan3A_340, %mul3A_352 : i32
          %swap3A_354 = arith.index_cast %mul3A_353 : i32 to index
          %swap3A_355 = tpu.vector_load %arg9[%swap3A_354] {strides = array<i32>} : memref<4112xi32, #tpu.memory_space<vmem>>, vector<16xi32>,
          %swap3A_356 = vector.shape_cast %swap3A_355 : vector<16xi32> to vector<16xi32>
          %swap3A_357 = vector.shape_cast %broadcast_in_dim3A_351 : vector<16xi32> to vector<16xi32>
          tpu.vector_store %arg9[%swap3A_354], %swap3A_357 {strides = array<i32>} : memref<4112xi32, #tpu.memory_space<vmem>>, vector<16xi32>,
          %scan3A_358 = arith.constant 0 : i32
          scf.yield %scan3A_358 : i32
        }
        %scan3A_339 = arith.constant 7 : i32
      } else {
      }
      %add3A_145 = arith.constant 2 : i32
      %add3A_146 = arith.addi %add3A_78, %add3A_145 : i32
      %add3A_147 = arith.constant 128 : i32
      %add3A_148 = arith.addi %mul3A_2, %add3A_147 : i32
      %lt3A = arith.cmpi slt, %add3A_146, %add3A_148 : i32
      %convert_element_type3A_149 = arith.extui %lt3A : i1 to i32
      %cond3A_150 = arith.constant 0 : i32
      %cond3A_151 = arith.cmpi ne, %convert_element_type3A_149, %cond3A_150 : i32
      scf.if %cond3A_151 {
        %add3A_290 = arith.constant 2 : i32
        %add3A_291 = arith.addi %add3A_78, %add3A_290 : i32
        %dma_start3A_292 = arith.constant 0 : i32
        %dma_start3A_293 = tpu.memref_slice %arg2[%add3A_291, %dma_start3A_292] : memref<4096x4096xf32, #tpu.memory_space<hbm>> -> memref<1x4096xf32, #tpu.memory_space<hbm>>
        %dma_start3A_294 = tpu.memref_squeeze %dma_start3A_293 : memref<1x4096xf32, #tpu.memory_space<hbm>> -> memref<4096xf32, #tpu.memory_space<hbm>>
        %dma_start3A_295 = arith.constant 0 : i32
        %dma_start3A_296 = tpu.memref_slice %arg2[%add3A_291, %dma_start3A_295] : memref<4096x4096xf32, #tpu.memory_space<hbm>> -> memref<1x4096xf32, #tpu.memory_space<hbm>>
        %dma_start3A_297 = tpu.memref_squeeze %dma_start3A_296 : memref<1x4096xf32, #tpu.memory_space<hbm>> -> memref<4096xf32, #tpu.memory_space<hbm>>
        tpu.enqueue_dma source(%dma_start3A_297 : memref<4096xf32, #tpu.memory_space<hbm>>) target(%arg5 : memref<4096xf32, #tpu.memory_space<vmem>>) target_semaphore(%arg11 : memref<!tpu.dma_semaphore, #tpu.memory_space<semaphore_mem>>)
      } else {
      }
      %gt3A_152 = arith.constant 0 : i32
      %gt3A_153 = arith.cmpi sgt, %scan3A_72, %gt3A_152 : i32
      %convert_element_type3A_154 = arith.extui %gt3A_153 : i1 to i32
      %cond3A_155 = arith.constant 0 : i32
      %cond3A_156 = arith.cmpi ne, %convert_element_type3A_154, %cond3A_155 : i32
      scf.if %cond3A_156 {
        %sub3A_290 = arith.constant 2 : i32
        %sub3A_291 = arith.subi %add3A_78, %sub3A_290 : i32
        %dma_wait3A_292 = arith.constant 0 : i32
        %dma_wait3A_293 = tpu.memref_slice %arg7[%dma_wait3A_292] : memref<4112xf32, #tpu.memory_space<vmem>> -> memref<128xf32, #tpu.memory_space<vmem>>
        %dma_wait3A_294 = arith.constant 0 : i32
        %dma_wait3A_295 = tpu.memref_slice %arg3[%sub3A_291, %dma_wait3A_294] : memref<4096x128xf32, #tpu.memory_space<hbm>> -> memref<1x128xf32, #tpu.memory_space<hbm>>
        %dma_wait3A_296 = tpu.memref_squeeze %dma_wait3A_295 : memref<1x128xf32, #tpu.memory_space<hbm>> -> memref<128xf32, #tpu.memory_space<hbm>>
        %dma_wait3A_297 = arith.constant 0 : i32
        %dma_wait3A_298 = tpu.memref_slice %arg3[%sub3A_291, %dma_wait3A_297] : memref<4096x128xf32, #tpu.memory_space<hbm>> -> memref<1x128xf32, #tpu.memory_space<hbm>>
        %dma_wait3A_299 = tpu.memref_squeeze %dma_wait3A_298 : memref<1x128xf32, #tpu.memory_space<hbm>> -> memref<128xf32, #tpu.memory_space<hbm>>
        %dma_wait3A_300 = arith.constant 0 : i32
        %dma_wait3A_301 = tpu.memref_slice %arg7[%dma_wait3A_300] : memref<4112xf32, #tpu.memory_space<vmem>> -> memref<128xf32, #tpu.memory_space<vmem>>
        tpu.wait_dma2 semaphore(%arg13 : memref<!tpu.dma_semaphore, #tpu.memory_space<semaphore_mem>>) src(%dma_wait3A_301 : memref<128xf32, #tpu.memory_space<vmem>>) dst(%dma_wait3A_299 : memref<128xf32, #tpu.memory_space<hbm>>)
        %sub3A_302 = arith.constant 2 : i32
        %sub3A_303 = arith.subi %add3A_78, %sub3A_302 : i32
        %dma_wait3A_304 = arith.constant 0 : i32
        %dma_wait3A_305 = tpu.memref_slice %arg9[%dma_wait3A_304] : memref<4112xi32, #tpu.memory_space<vmem>> -> memref<128xi32, #tpu.memory_space<vmem>>
        %dma_wait3A_306 = arith.constant 0 : i32
        %dma_wait3A_307 = tpu.memref_slice %arg4[%sub3A_303, %dma_wait3A_306] : memref<4096x128xi32, #tpu.memory_space<hbm>> -> memref<1x128xi32, #tpu.memory_space<hbm>>
        %dma_wait3A_308 = tpu.memref_squeeze %dma_wait3A_307 : memref<1x128xi32, #tpu.memory_space<hbm>> -> memref<128xi32, #tpu.memory_space<hbm>>
        %dma_wait3A_309 = arith.constant 0 : i32
        %dma_wait3A_310 = tpu.memref_slice %arg4[%sub3A_303, %dma_wait3A_309] : memref<4096x128xi32, #tpu.memory_space<hbm>> -> memref<1x128xi32, #tpu.memory_space<hbm>>
        %dma_wait3A_311 = tpu.memref_squeeze %dma_wait3A_310 : memref<1x128xi32, #tpu.memory_space<hbm>> -> memref<128xi32, #tpu.memory_space<hbm>>
        %dma_wait3A_312 = arith.constant 0 : i32
        %dma_wait3A_313 = tpu.memref_slice %arg9[%dma_wait3A_312] : memref<4112xi32, #tpu.memory_space<vmem>> -> memref<128xi32, #tpu.memory_space<vmem>>
        tpu.wait_dma2 semaphore(%arg15 : memref<!tpu.dma_semaphore, #tpu.memory_space<semaphore_mem>>) src(%dma_wait3A_313 : memref<128xi32, #tpu.memory_space<vmem>>) dst(%dma_wait3A_311 : memref<128xi32, #tpu.memory_space<hbm>>)
      } else {
      }
      %dma_start3A_157 = arith.constant 0 : i32
      %dma_start3A_158 = tpu.memref_slice %arg7[%dma_start3A_157] : memref<4112xf32, #tpu.memory_space<vmem>> -> memref<128xf32, #tpu.memory_space<vmem>>
      %dma_start3A_159 = arith.constant 0 : i32
      %dma_start3A_160 = tpu.memref_slice %arg3[%add3A_78, %dma_start3A_159] : memref<4096x128xf32, #tpu.memory_space<hbm>> -> memref<1x128xf32, #tpu.memory_space<hbm>>
      %dma_start3A_161 = tpu.memref_squeeze %dma_start3A_160 : memref<1x128xf32, #tpu.memory_space<hbm>> -> memref<128xf32, #tpu.memory_space<hbm>>
      %dma_start3A_162 = arith.constant 0 : i32
      %dma_start3A_163 = tpu.memref_slice %arg3[%add3A_78, %dma_start3A_162] : memref<4096x128xf32, #tpu.memory_space<hbm>> -> memref<1x128xf32, #tpu.memory_space<hbm>>
      %dma_start3A_164 = tpu.memref_squeeze %dma_start3A_163 : memref<1x128xf32, #tpu.memory_space<hbm>> -> memref<128xf32, #tpu.memory_space<hbm>>
      %dma_start3A_165 = arith.constant 0 : i32
      %dma_start3A_166 = tpu.memref_slice %arg7[%dma_start3A_165] : memref<4112xf32, #tpu.memory_space<vmem>> -> memref<128xf32, #tpu.memory_space<vmem>>
      tpu.enqueue_dma source(%dma_start3A_166 : memref<128xf32, #tpu.memory_space<vmem>>) target(%dma_start3A_164 : memref<128xf32, #tpu.memory_space<hbm>>) target_semaphore(%arg13 : memref<!tpu.dma_semaphore, #tpu.memory_space<semaphore_mem>>)
      %dma_start3A_167 = arith.constant 0 : i32
      %dma_start3A_168 = tpu.memref_slice %arg9[%dma_start3A_167] : memref<4112xi32, #tpu.memory_space<vmem>> -> memref<128xi32, #tpu.memory_space<vmem>>
      %dma_start3A_169 = arith.constant 0 : i32
      %dma_start3A_170 = tpu.memref_slice %arg4[%add3A_78, %dma_start3A_169] : memref<4096x128xi32, #tpu.memory_space<hbm>> -> memref<1x128xi32, #tpu.memory_space<hbm>>
      %dma_start3A_171 = tpu.memref_squeeze %dma_start3A_170 : memref<1x128xi32, #tpu.memory_space<hbm>> -> memref<128xi32, #tpu.memory_space<hbm>>
      %dma_start3A_172 = arith.constant 0 : i32
      %dma_start3A_173 = tpu.memref_slice %arg4[%add3A_78, %dma_start3A_172] : memref<4096x128xi32, #tpu.memory_space<hbm>> -> memref<1x128xi32, #tpu.memory_space<hbm>>
      %dma_start3A_174 = tpu.memref_squeeze %dma_start3A_173 : memref<1x128xi32, #tpu.memory_space<hbm>> -> memref<128xi32, #tpu.memory_space<hbm>>
      %dma_start3A_175 = arith.constant 0 : i32
      %dma_start3A_176 = tpu.memref_slice %arg9[%dma_start3A_175] : memref<4112xi32, #tpu.memory_space<vmem>> -> memref<128xi32, #tpu.memory_space<vmem>>
      tpu.enqueue_dma source(%dma_start3A_176 : memref<128xi32, #tpu.memory_space<vmem>>) target(%dma_start3A_174 : memref<128xi32, #tpu.memory_space<hbm>>) target_semaphore(%arg15 : memref<!tpu.dma_semaphore, #tpu.memory_space<semaphore_mem>>)
      %mul3A_177 = arith.constant 2 : i32
      %mul3A_178 = arith.muli %scan3A_72, %mul3A_177 : i32
      %add3A_179 = arith.addi %mul3A_2, %mul3A_178 : i32
      %add3A_180 = arith.constant 1 : i32
      %add3A_181 = arith.addi %add3A_179, %add3A_180 : i32
      %dma_wait3A_182 = arith.constant 0 : i32
      %dma_wait3A_183 = tpu.memref_slice %arg2[%add3A_181, %dma_wait3A_182] : memref<4096x4096xf32, #tpu.memory_space<hbm>> -> memref<1x4096xf32, #tpu.memory_space<hbm>>
      %dma_wait3A_184 = tpu.memref_squeeze %dma_wait3A_183 : memref<1x4096xf32, #tpu.memory_space<hbm>> -> memref<4096xf32, #tpu.memory_space<hbm>>
      %dma_wait3A_185 = arith.constant 0 : i32
      %dma_wait3A_186 = tpu.memref_slice %arg2[%add3A_181, %dma_wait3A_185] : memref<4096x4096xf32, #tpu.memory_space<hbm>> -> memref<1x4096xf32, #tpu.memory_space<hbm>>
      %dma_wait3A_187 = tpu.memref_squeeze %dma_wait3A_186 : memref<1x4096xf32, #tpu.memory_space<hbm>> -> memref<4096xf32, #tpu.memory_space<hbm>>
      tpu.wait_dma2 semaphore(%arg12 : memref<!tpu.dma_semaphore, #tpu.memory_space<semaphore_mem>>) src(%dma_wait3A_187 : memref<4096xf32, #tpu.memory_space<hbm>>) dst(%arg6 : memref<4096xf32, #tpu.memory_space<vmem>>)
      %broadcast_in_dim3A_188 = arith.constant -1.000000e+00 : f32
      %broadcast_in_dim3A_189 = vector.broadcast %broadcast_in_dim3A_188 : f32 to vector<16xf32>
      %scan3A_190 = arith.constant 0 : i32
      %scan3A_191 = arith.constant 256 : i32
      %scan3A_192 = arith.addi %scan3A_190, %scan3A_191 : i32
      %scan3A_193 = arith.constant 1 : i32
      %scan3A_194 = scf.for %scan3A_290 = %scan3A_190 to %scan3A_192 step %scan3A_193 iter_args(%scan3A_291 = %broadcast_in_dim3A_189) -> (vector<16xf32>)  : i32 {
        %mul3A_292 = arith.constant 16 : i32
        %mul3A_293 = arith.muli %scan3A_290, %mul3A_292 : i32
        %get3A = arith.index_cast %mul3A_293 : i32 to index
        %get3A_294 = tpu.vector_load %arg6[%get3A] {strides = array<i32>} : memref<4096xf32, #tpu.memory_space<vmem>>, vector<16xf32>,
        %get3A_295 = vector.shape_cast %get3A_294 : vector<16xf32> to vector<16xf32>
        %max3A = arith.maximumf %scan3A_291, %get3A_295 : vector<16xf32>
        scf.yield %max3A : vector<16xf32>
      }
      %scan3A_195 = arith.constant 256 : i32
      %iota3A_196 = tpu.iota {dimensions = array<i32: 0>} : vector<16xi32>
      %xor3A_197 = arith.constant 1 : i32
      %xor3A_198 = vector.broadcast %xor3A_197 : i32 to vector<16xi32>
      %xor3A_199 = arith.xori %iota3A_196, %xor3A_198 : vector<16xi32>
      %broadcast_in_dim3A_200 = vector.shape_cast %xor3A_199 : vector<16xi32> to vector<16x1xi32>
      %gather3A_201 = vector.shape_cast %broadcast_in_dim3A_200 : vector<16x1xi32> to vector<16xi32>
      %gather3A_202 = tpu.dynamic_gather %scan3A_194[%gather3A_201] in [0] : vector<16xf32>, vector<16xi32> -> vector<16xf32>
      %min3A_203 = arith.minimumf %scan3A_194, %gather3A_202 : vector<16xf32>
      %xor3A_204 = arith.constant 2 : i32
      %xor3A_205 = vector.broadcast %xor3A_204 : i32 to vector<16xi32>
      %xor3A_206 = arith.xori %iota3A_196, %xor3A_205 : vector<16xi32>
      %broadcast_in_dim3A_207 = vector.shape_cast %xor3A_206 : vector<16xi32> to vector<16x1xi32>
      %gather3A_208 = vector.shape_cast %broadcast_in_dim3A_207 : vector<16x1xi32> to vector<16xi32>
      %gather3A_209 = tpu.dynamic_gather %min3A_203[%gather3A_208] in [0] : vector<16xf32>, vector<16xi32> -> vector<16xf32>
      %min3A_210 = arith.minimumf %min3A_203, %gather3A_209 : vector<16xf32>
      %xor3A_211 = arith.constant 4 : i32
      %xor3A_212 = vector.broadcast %xor3A_211 : i32 to vector<16xi32>
      %xor3A_213 = arith.xori %iota3A_196, %xor3A_212 : vector<16xi32>
      %broadcast_in_dim3A_214 = vector.shape_cast %xor3A_213 : vector<16xi32> to vector<16x1xi32>
      %gather3A_215 = vector.shape_cast %broadcast_in_dim3A_214 : vector<16x1xi32> to vector<16xi32>
      %gather3A_216 = tpu.dynamic_gather %min3A_210[%gather3A_215] in [0] : vector<16xf32>, vector<16xi32> -> vector<16xf32>
      %min3A_217 = arith.minimumf %min3A_210, %gather3A_216 : vector<16xf32>
      %xor3A_218 = arith.constant 8 : i32
      %xor3A_219 = vector.broadcast %xor3A_218 : i32 to vector<16xi32>
      %xor3A_220 = arith.xori %iota3A_196, %xor3A_219 : vector<16xi32>
      %broadcast_in_dim3A_221 = vector.shape_cast %xor3A_220 : vector<16xi32> to vector<16x1xi32>
      %gather3A_222 = vector.shape_cast %broadcast_in_dim3A_221 : vector<16x1xi32> to vector<16xi32>
      %gather3A_223 = tpu.dynamic_gather %min3A_217[%gather3A_222] in [0] : vector<16xf32>, vector<16xi32> -> vector<16xf32>
      %min3A_224 = arith.minimumf %min3A_217, %gather3A_223 : vector<16xf32>
      %scan3A_225 = arith.constant 0 : i32
      %scan3A_226 = arith.constant 0 : i32
      %scan3A_227 = arith.constant 9 : i32
      %scan3A_228 = arith.addi %scan3A_226, %scan3A_227 : i32
      %scan3A_229 = arith.constant 1 : i32
      %scan3A_230 = scf.for %scan3A_290 = %scan3A_226 to %scan3A_228 step %scan3A_229 iter_args(%scan3A_291 = %scan3A_225) -> (i32)  : i32 {
        %broadcast_in_dim3A_292 = arith.constant -1.000000e+00 : f32
        %broadcast_in_dim3A_293 = vector.broadcast %broadcast_in_dim3A_292 : f32 to vector<16xf32>
        %mul3A_294 = arith.constant 16 : i32
        %mul3A_295 = arith.muli %scan3A_290, %mul3A_294 : i32
        %swap3A_296 = arith.index_cast %mul3A_295 : i32 to index
        %swap3A_297 = tpu.vector_load %arg8[%swap3A_296] {strides = array<i32>} : memref<4112xf32, #tpu.memory_space<vmem>>, vector<16xf32>,
        %swap3A_298 = vector.shape_cast %swap3A_297 : vector<16xf32> to vector<16xf32>
        %swap3A_299 = vector.shape_cast %broadcast_in_dim3A_293 : vector<16xf32> to vector<16xf32>
        tpu.vector_store %arg8[%swap3A_296], %swap3A_299 {strides = array<i32>} : memref<4112xf32, #tpu.memory_space<vmem>>, vector<16xf32>,
        %broadcast_in_dim3A_300 = arith.constant 2147483647 : i32
        %broadcast_in_dim3A_301 = vector.broadcast %broadcast_in_dim3A_300 : i32 to vector<16xi32>
        %mul3A_302 = arith.constant 16 : i32
        %mul3A_303 = arith.muli %scan3A_290, %mul3A_302 : i32
        %swap3A_304 = arith.index_cast %mul3A_303 : i32 to index
        %swap3A_305 = tpu.vector_load %arg10[%swap3A_304] {strides = array<i32>} : memref<4112xi32, #tpu.memory_space<vmem>>, vector<16xi32>,
        %swap3A_306 = vector.shape_cast %swap3A_305 : vector<16xi32> to vector<16xi32>
        %swap3A_307 = vector.shape_cast %broadcast_in_dim3A_301 : vector<16xi32> to vector<16xi32>
        tpu.vector_store %arg10[%swap3A_304], %swap3A_307 {strides = array<i32>} : memref<4112xi32, #tpu.memory_space<vmem>>, vector<16xi32>,
        %scan3A_308 = arith.constant 0 : i32
        scf.yield %scan3A_308 : i32
      }
      %scan3A_231 = arith.constant 9 : i32
      %scan3A_232 = arith.constant 16 : i32
      %scan3A_233 = arith.constant 0 : i32
      %scan3A_234 = arith.constant 256 : i32
      %scan3A_235 = arith.addi %scan3A_233, %scan3A_234 : i32
      %scan3A_236 = arith.constant 1 : i32
      %scan3A_237 = scf.for %scan3A_290 = %scan3A_233 to %scan3A_235 step %scan3A_236 iter_args(%scan3A_291 = %scan3A_232) -> (i32)  : i32 {
        %mul3A_292 = arith.constant 16 : i32
        %mul3A_293 = arith.muli %scan3A_290, %mul3A_292 : i32
        %get3A = arith.index_cast %mul3A_293 : i32 to index
        %get3A_294 = tpu.vector_load %arg6[%get3A] {strides = array<i32>} : memref<4096xf32, #tpu.memory_space<vmem>>, vector<16xf32>,
        %get3A_295 = vector.shape_cast %get3A_294 : vector<16xf32> to vector<16xf32>
        %ge3A = arith.cmpf oge, %get3A_295, %min3A_224 : vector<16xf32>
        %jit3A = arith.constant 1 : i32
        %jit3A_296 = arith.constant 0 : i32
        %broadcast_in_dim3A_297 = vector.broadcast %jit3A : i32 to vector<16xi32>
        %broadcast_in_dim3A_298 = vector.broadcast %jit3A_296 : i32 to vector<16xi32>
        %select_n3A = arith.select %ge3A, %broadcast_in_dim3A_297, %broadcast_in_dim3A_298 : vector<16xi1>, vector<16xi32>
        %slice3A = vector.extract_strided_slice %select_n3A {offsets = [15], sizes = [1], strides = [1]} : vector<16xi32> to vector<1xi32>
        %squeeze3A = vector.extract %slice3A[0] : i32 from vector<1xi32>
        %mul3A_299 = arith.constant 0 : i32
        %mul3A_300 = arith.muli %squeeze3A, %mul3A_299 : i32
        %add3A_301 = arith.addi %scan3A_291, %mul3A_300 : i32
        %add3A_302 = arith.constant 1 : i32
        %add3A_303 = arith.addi %add3A_301, %add3A_302 : i32
        scf.yield %add3A_303 : i32
      }
      %scan3A_238 = arith.constant 256 : i32
      %broadcast_in_dim3A_239 = arith.constant -1.000000e+00 : f32
      %broadcast_in_dim3A_240 = vector.broadcast %broadcast_in_dim3A_239 : f32 to vector<16xf32>
      %swap3A_241 = arith.index_cast %scan3A_237 : i32 to index
      %swap3A_242 = tpu.vector_load %arg8[%swap3A_241] {strides = array<i32>} : memref<4112xf32, #tpu.memory_space<vmem>>, vector<16xf32>,
      %swap3A_243 = vector.shape_cast %swap3A_242 : vector<16xf32> to vector<16xf32>
      %swap3A_244 = vector.shape_cast %broadcast_in_dim3A_240 : vector<16xf32> to vector<16xf32>
      tpu.vector_store %arg8[%swap3A_241], %swap3A_244 {strides = array<i32>} : memref<4112xf32, #tpu.memory_space<vmem>>, vector<16xf32>,
      %broadcast_in_dim3A_245 = arith.constant 2147483647 : i32
      %broadcast_in_dim3A_246 = vector.broadcast %broadcast_in_dim3A_245 : i32 to vector<16xi32>
      %swap3A_247 = arith.index_cast %scan3A_237 : i32 to index
      %swap3A_248 = tpu.vector_load %arg10[%swap3A_247] {strides = array<i32>} : memref<4112xi32, #tpu.memory_space<vmem>>, vector<16xi32>,
      %swap3A_249 = vector.shape_cast %swap3A_248 : vector<16xi32> to vector<16xi32>
      %swap3A_250 = vector.shape_cast %broadcast_in_dim3A_246 : vector<16xi32> to vector<16xi32>
      tpu.vector_store %arg10[%swap3A_247], %swap3A_250 {strides = array<i32>} : memref<4112xi32, #tpu.memory_space<vmem>>, vector<16xi32>,
      %gt3A_251 = arith.constant 128 : i32
      %gt3A_252 = arith.cmpi sgt, %scan3A_237, %gt3A_251 : i32
      %convert_element_type3A_253 = arith.extui %gt3A_252 : i1 to i32
      %cond3A_254 = arith.constant 0 : i32
      %cond3A_255 = arith.cmpi ne, %convert_element_type3A_253, %cond3A_254 : i32
      scf.if %cond3A_255 {
        %add3A_290 = arith.constant 16 : i32
        %add3A_291 = arith.addi %scan3A_237, %add3A_290 : i32
        %sub3A_292 = arith.constant 1 : i32
        %sub3A_293 = arith.subi %add3A_291, %sub3A_292 : i32
        %jit3A = arith.constant 16 : i32
        %div3A = arith.divsi %sub3A_293, %jit3A : i32
        %sign3A = arith.constant 0 : i32
        %sign3A_294 = arith.cmpi sgt, %sub3A_293, %sign3A : i32
        %sign3A_295 = arith.extui %sign3A_294 : i1 to i32
        %sign3A_296 = arith.constant 0 : i32
        %sign3A_297 = arith.cmpi slt, %sub3A_293, %sign3A_296 : i32
        %sign3A_298 = arith.extui %sign3A_297 : i1 to i32
        %sign3A_299 = arith.subi %sign3A_295, %sign3A_298 : i32
        %sign3A_300 = arith.constant 0 : i32
        %sign3A_301 = arith.cmpi sgt, %jit3A, %sign3A_300 : i32
        %sign3A_302 = arith.extui %sign3A_301 : i1 to i32
        %sign3A_303 = arith.constant 0 : i32
        %sign3A_304 = arith.cmpi slt, %jit3A, %sign3A_303 : i32
        %sign3A_305 = arith.extui %sign3A_304 : i1 to i32
        %sign3A_306 = arith.subi %sign3A_302, %sign3A_305 : i32
        %ne3A = arith.cmpi ne, %sign3A_299, %sign3A_306 : i32
        %rem3A = arith.remsi %sub3A_293, %jit3A : i32
        %ne3A_307 = arith.constant 0 : i32
        %ne3A_308 = arith.cmpi ne, %rem3A, %ne3A_307 : i32
        %and3A = arith.andi %ne3A, %ne3A_308 : i1
        %sub3A_309 = arith.constant 1 : i32
        %sub3A_310 = arith.subi %div3A, %sub3A_309 : i32
        %select_n3A = arith.select %and3A, %sub3A_310, %div3A : i32
        %broadcast_in_dim3A_311 = arith.constant -1.000000e+00 : f32
        %broadcast_in_dim3A_312 = vector.broadcast %broadcast_in_dim3A_311 : f32 to vector<16xf32>
        %broadcast_in_dim3A_313 = arith.constant 2147483647 : i32
        %broadcast_in_dim3A_314 = vector.broadcast %broadcast_in_dim3A_313 : i32 to vector<16xi32>
        %broadcast_in_dim3A_315 = arith.constant 0x7F800000 : f32
        %broadcast_in_dim3A_316 = vector.broadcast %broadcast_in_dim3A_315 : f32 to vector<16xf32>
        %broadcast_in_dim3A_317 = arith.constant -1 : i32
        %broadcast_in_dim3A_318 = vector.broadcast %broadcast_in_dim3A_317 : i32 to vector<16xi32>
        %scan3A_319 = arith.constant 0 : i32
        %scan3A_320 = arith.constant 16 : i32
        %scan3A_321 = arith.addi %scan3A_319, %scan3A_320 : i32
        %scan3A_322 = arith.constant 1 : i32
        %scan3A_323:4 = scf.for %scan3A_340 = %scan3A_319 to %scan3A_321 step %scan3A_322 iter_args(%scan3A_341 = %broadcast_in_dim3A_312, %scan3A_342 = %broadcast_in_dim3A_314, %scan3A_343 = %broadcast_in_dim3A_316, %scan3A_344 = %broadcast_in_dim3A_318) -> (vector<16xf32>, vector<16xi32>, vector<16xf32>, vector<16xi32>)  : i32 {
          %broadcast_in_dim3A_345 = arith.constant -2.000000e+00 : f32
          %broadcast_in_dim3A_346 = vector.broadcast %broadcast_in_dim3A_345 : f32 to vector<16xf32>
          %broadcast_in_dim3A_347 = arith.constant 2147483647 : i32
          %broadcast_in_dim3A_348 = vector.broadcast %broadcast_in_dim3A_347 : i32 to vector<16xi32>
          %while3A = arith.constant 0 : i32
          %while3A_349 = arith.subi %select_n3A, %while3A : i32
          %while3A_350 = arith.addi %while3A, %while3A_349 : i32
          %while3A_351 = arith.constant 1 : i32
          %while3A_352 = arith.divsi %while3A_349, %while3A_351 : i32
          %while3A_353 = arith.muli %while3A_352, %while3A_351 : i32
          %while3A_354 = arith.addi %while3A, %while3A_353 : i32
          %while3A_355 = arith.constant 1 : i32
          %while3A_356:2 = scf.for %while3A_425 = %while3A to %while3A_354 step %while3A_355 iter_args(%while3A_426 = %broadcast_in_dim3A_346, %while3A_427 = %broadcast_in_dim3A_348) -> (vector<16xf32>, vector<16xi32>)  : i32 {
            %mul3A_428 = arith.constant 16 : i32
            %mul3A_429 = arith.muli %while3A_425, %mul3A_428 : i32
            %get3A = arith.index_cast %mul3A_429 : i32 to index
            %get3A_430 = tpu.vector_load %arg8[%get3A] {strides = array<i32>} : memref<4112xf32, #tpu.memory_space<vmem>>, vector<16xf32>,
            %get3A_431 = vector.shape_cast %get3A_430 : vector<16xf32> to vector<16xf32>
            %mul3A_432 = arith.constant 16 : i32
            %mul3A_433 = arith.muli %while3A_425, %mul3A_432 : i32
            %get3A_434 = arith.index_cast %mul3A_433 : i32 to index
            %get3A_435 = tpu.vector_load %arg10[%get3A_434] {strides = array<i32>} : memref<4112xi32, #tpu.memory_space<vmem>>, vector<16xi32>,
            %get3A_436 = vector.shape_cast %get3A_435 : vector<16xi32> to vector<16xi32>
            %lt3A_437 = arith.cmpf olt, %get3A_431, %scan3A_343 : vector<16xf32>
            %eq3A_438 = arith.cmpf oeq, %get3A_431, %scan3A_343 : vector<16xf32>
            %gt3A_439 = arith.cmpi sgt, %get3A_436, %scan3A_344 : vector<16xi32>
            %and3A_440 = arith.andi %eq3A_438, %gt3A_439 : vector<16xi1>
            %or3A = arith.ori %lt3A_437, %and3A_440 : vector<16xi1>
            %gt3A_441 = arith.cmpf ogt, %get3A_431, %while3A_426 : vector<16xf32>
            %eq3A_442 = arith.cmpf oeq, %get3A_431, %while3A_426 : vector<16xf32>
            %lt3A_443 = arith.cmpi slt, %get3A_436, %while3A_427 : vector<16xi32>
            %and3A_444 = arith.andi %eq3A_442, %lt3A_443 : vector<16xi1>
            %or3A_445 = arith.ori %gt3A_441, %and3A_444 : vector<16xi1>
            %and3A_446 = arith.andi %or3A, %or3A_445 : vector<16xi1>
            %select_n3A_447 = arith.select %and3A_446, %get3A_431, %while3A_426 : vector<16xi1>, vector<16xf32>
            %select_n3A_448 = arith.select %and3A_446, %get3A_436, %while3A_427 : vector<16xi1>, vector<16xi32>
            scf.yield %select_n3A_447, %select_n3A_448 : vector<16xf32>, vector<16xi32>
          }
          %while3A_357 = arith.constant 1 : i32
          %while3A_358:2 = scf.for %while3A_425 = %while3A_354 to %while3A_350 step %while3A_357 iter_args(%while3A_426 = %while3A_356#0, %while3A_427 = %while3A_356#1) -> (vector<16xf32>, vector<16xi32>)  : i32 {
            %mul3A_428 = arith.constant 16 : i32
            %mul3A_429 = arith.muli %while3A_425, %mul3A_428 : i32
            %get3A = arith.index_cast %mul3A_429 : i32 to index
            %get3A_430 = tpu.vector_load %arg8[%get3A] {strides = array<i32>} : memref<4112xf32, #tpu.memory_space<vmem>>, vector<16xf32>,
            %get3A_431 = vector.shape_cast %get3A_430 : vector<16xf32> to vector<16xf32>
            %mul3A_432 = arith.constant 16 : i32
            %mul3A_433 = arith.muli %while3A_425, %mul3A_432 : i32
            %get3A_434 = arith.index_cast %mul3A_433 : i32 to index
            %get3A_435 = tpu.vector_load %arg10[%get3A_434] {strides = array<i32>} : memref<4112xi32, #tpu.memory_space<vmem>>, vector<16xi32>,
            %get3A_436 = vector.shape_cast %get3A_435 : vector<16xi32> to vector<16xi32>
            %lt3A_437 = arith.cmpf olt, %get3A_431, %scan3A_343 : vector<16xf32>
            %eq3A_438 = arith.cmpf oeq, %get3A_431, %scan3A_343 : vector<16xf32>
            %gt3A_439 = arith.cmpi sgt, %get3A_436, %scan3A_344 : vector<16xi32>
            %and3A_440 = arith.andi %eq3A_438, %gt3A_439 : vector<16xi1>
            %or3A = arith.ori %lt3A_437, %and3A_440 : vector<16xi1>
            %gt3A_441 = arith.cmpf ogt, %get3A_431, %while3A_426 : vector<16xf32>
            %eq3A_442 = arith.cmpf oeq, %get3A_431, %while3A_426 : vector<16xf32>
            %lt3A_443 = arith.cmpi slt, %get3A_436, %while3A_427 : vector<16xi32>
            %and3A_444 = arith.andi %eq3A_442, %lt3A_443 : vector<16xi1>
            %or3A_445 = arith.ori %gt3A_441, %and3A_444 : vector<16xi1>
            %and3A_446 = arith.andi %or3A, %or3A_445 : vector<16xi1>
            %select_n3A_447 = arith.select %and3A_446, %get3A_431, %while3A_426 : vector<16xi1>, vector<16xf32>
            %select_n3A_448 = arith.select %and3A_446, %get3A_436, %while3A_427 : vector<16xi1>, vector<16xi32>
            scf.yield %select_n3A_447, %select_n3A_448 : vector<16xf32>, vector<16xi32>
          }
          %iota3A_359 = tpu.iota {dimensions = array<i32: 0>} : vector<16xi32>
          %xor3A_360 = arith.constant 1 : i32
          %xor3A_361 = vector.broadcast %xor3A_360 : i32 to vector<16xi32>
          %xor3A_362 = arith.xori %iota3A_359, %xor3A_361 : vector<16xi32>
          %broadcast_in_dim3A_363 = vector.shape_cast %xor3A_362 : vector<16xi32> to vector<16x1xi32>
          %gather3A_364 = vector.shape_cast %broadcast_in_dim3A_363 : vector<16x1xi32> to vector<16xi32>
          %gather3A_365 = tpu.dynamic_gather %while3A_358#0[%gather3A_364] in [0] : vector<16xf32>, vector<16xi32> -> vector<16xf32>
          %max3A = arith.maximumf %while3A_358#0, %gather3A_365 : vector<16xf32>
          %xor3A_366 = arith.constant 2 : i32
          %xor3A_367 = vector.broadcast %xor3A_366 : i32 to vector<16xi32>
          %xor3A_368 = arith.xori %iota3A_359, %xor3A_367 : vector<16xi32>
          %broadcast_in_dim3A_369 = vector.shape_cast %xor3A_368 : vector<16xi32> to vector<16x1xi32>
          %gather3A_370 = vector.shape_cast %broadcast_in_dim3A_369 : vector<16x1xi32> to vector<16xi32>
          %gather3A_371 = tpu.dynamic_gather %max3A[%gather3A_370] in [0] : vector<16xf32>, vector<16xi32> -> vector<16xf32>
          %max3A_372 = arith.maximumf %max3A, %gather3A_371 : vector<16xf32>
          %xor3A_373 = arith.constant 4 : i32
          %xor3A_374 = vector.broadcast %xor3A_373 : i32 to vector<16xi32>
          %xor3A_375 = arith.xori %iota3A_359, %xor3A_374 : vector<16xi32>
          %broadcast_in_dim3A_376 = vector.shape_cast %xor3A_375 : vector<16xi32> to vector<16x1xi32>
          %gather3A_377 = vector.shape_cast %broadcast_in_dim3A_376 : vector<16x1xi32> to vector<16xi32>
          %gather3A_378 = tpu.dynamic_gather %max3A_372[%gather3A_377] in [0] : vector<16xf32>, vector<16xi32> -> vector<16xf32>
          %max3A_379 = arith.maximumf %max3A_372, %gather3A_378 : vector<16xf32>
          %xor3A_380 = arith.constant 8 : i32
          %xor3A_381 = vector.broadcast %xor3A_380 : i32 to vector<16xi32>
          %xor3A_382 = arith.xori %iota3A_359, %xor3A_381 : vector<16xi32>
          %broadcast_in_dim3A_383 = vector.shape_cast %xor3A_382 : vector<16xi32> to vector<16x1xi32>
          %gather3A_384 = vector.shape_cast %broadcast_in_dim3A_383 : vector<16x1xi32> to vector<16xi32>
          %gather3A_385 = tpu.dynamic_gather %max3A_379[%gather3A_384] in [0] : vector<16xf32>, vector<16xi32> -> vector<16xf32>
          %max3A_386 = arith.maximumf %max3A_379, %gather3A_385 : vector<16xf32>
          %eq3A = arith.cmpf oeq, %while3A_358#0, %max3A_386 : vector<16xf32>
          %jit3A_387 = arith.constant 2147483647 : i32
          %broadcast_in_dim3A_388 = vector.broadcast %jit3A_387 : i32 to vector<16xi32>
          %select_n3A_389 = arith.select %eq3A, %while3A_358#1, %broadcast_in_dim3A_388 : vector<16xi1>, vector<16xi32>
          %iota3A_390 = tpu.iota {dimensions = array<i32: 0>} : vector<16xi32>
          %xor3A_391 = arith.constant 1 : i32
          %xor3A_392 = vector.broadcast %xor3A_391 : i32 to vector<16xi32>
          %xor3A_393 = arith.xori %iota3A_390, %xor3A_392 : vector<16xi32>
          %broadcast_in_dim3A_394 = vector.shape_cast %xor3A_393 : vector<16xi32> to vector<16x1xi32>
          %gather3A_395 = vector.shape_cast %broadcast_in_dim3A_394 : vector<16x1xi32> to vector<16xi32>
          %gather3A_396 = tpu.dynamic_gather %select_n3A_389[%gather3A_395] in [0] : vector<16xi32>, vector<16xi32> -> vector<16xi32>
          %min3A_397 = arith.minsi %select_n3A_389, %gather3A_396 : vector<16xi32>
          %xor3A_398 = arith.constant 2 : i32
          %xor3A_399 = vector.broadcast %xor3A_398 : i32 to vector<16xi32>
          %xor3A_400 = arith.xori %iota3A_390, %xor3A_399 : vector<16xi32>
          %broadcast_in_dim3A_401 = vector.shape_cast %xor3A_400 : vector<16xi32> to vector<16x1xi32>
          %gather3A_402 = vector.shape_cast %broadcast_in_dim3A_401 : vector<16x1xi32> to vector<16xi32>
          %gather3A_403 = tpu.dynamic_gather %min3A_397[%gather3A_402] in [0] : vector<16xi32>, vector<16xi32> -> vector<16xi32>
          %min3A_404 = arith.minsi %min3A_397, %gather3A_403 : vector<16xi32>
          %xor3A_405 = arith.constant 4 : i32
          %xor3A_406 = vector.broadcast %xor3A_405 : i32 to vector<16xi32>
          %xor3A_407 = arith.xori %iota3A_390, %xor3A_406 : vector<16xi32>
          %broadcast_in_dim3A_408 = vector.shape_cast %xor3A_407 : vector<16xi32> to vector<16x1xi32>
          %gather3A_409 = vector.shape_cast %broadcast_in_dim3A_408 : vector<16x1xi32> to vector<16xi32>
          %gather3A_410 = tpu.dynamic_gather %min3A_404[%gather3A_409] in [0] : vector<16xi32>, vector<16xi32> -> vector<16xi32>
          %min3A_411 = arith.minsi %min3A_404, %gather3A_410 : vector<16xi32>
          %xor3A_412 = arith.constant 8 : i32
          %xor3A_413 = vector.broadcast %xor3A_412 : i32 to vector<16xi32>
          %xor3A_414 = arith.xori %iota3A_390, %xor3A_413 : vector<16xi32>
          %broadcast_in_dim3A_415 = vector.shape_cast %xor3A_414 : vector<16xi32> to vector<16x1xi32>
          %gather3A_416 = vector.shape_cast %broadcast_in_dim3A_415 : vector<16x1xi32> to vector<16xi32>
          %gather3A_417 = tpu.dynamic_gather %min3A_411[%gather3A_416] in [0] : vector<16xi32>, vector<16xi32> -> vector<16xi32>
          %min3A_418 = arith.minsi %min3A_411, %gather3A_417 : vector<16xi32>
          %eq3A_419 = vector.broadcast %scan3A_340 : i32 to vector<16xi32>
          %eq3A_420 = arith.cmpi eq, %iota3A, %eq3A_419 : vector<16xi32>
          %select_n3A_421 = arith.select %eq3A_420, %max3A_386, %scan3A_341 : vector<16xi1>, vector<16xf32>
          %eq3A_422 = vector.broadcast %scan3A_340 : i32 to vector<16xi32>
          %eq3A_423 = arith.cmpi eq, %iota3A, %eq3A_422 : vector<16xi32>
          %select_n3A_424 = arith.select %eq3A_423, %min3A_418, %scan3A_342 : vector<16xi1>, vector<16xi32>
          scf.yield %select_n3A_421, %select_n3A_424, %max3A_386, %min3A_418 : vector<16xf32>, vector<16xi32>, vector<16xf32>, vector<16xi32>
        }
        %scan3A_324 = arith.constant 16 : i32
        %swap3A_325 = arith.constant 0 : index
        %swap3A_326 = tpu.vector_load %arg8[%swap3A_325] {strides = array<i32>} : memref<4112xf32, #tpu.memory_space<vmem>>, vector<16xf32>,
        %swap3A_327 = vector.shape_cast %swap3A_326 : vector<16xf32> to vector<16xf32>
        %swap3A_328 = vector.shape_cast %scan3A_323#0 : vector<16xf32> to vector<16xf32>
        tpu.vector_store %arg8[%swap3A_325], %swap3A_328 {strides = array<i32>} : memref<4112xf32, #tpu.memory_space<vmem>>, vector<16xf32>,
        %swap3A_329 = arith.constant 0 : index
        %swap3A_330 = tpu.vector_load %arg10[%swap3A_329] {strides = array<i32>} : memref<4112xi32, #tpu.memory_space<vmem>>, vector<16xi32>,
        %swap3A_331 = vector.shape_cast %swap3A_330 : vector<16xi32> to vector<16xi32>
        %swap3A_332 = vector.shape_cast %scan3A_323#1 : vector<16xi32> to vector<16xi32>
        tpu.vector_store %arg10[%swap3A_329], %swap3A_332 {strides = array<i32>} : memref<4112xi32, #tpu.memory_space<vmem>>, vector<16xi32>,
        %scan3A_333 = arith.constant 0 : i32
        %scan3A_334 = arith.constant 1 : i32
        %scan3A_335 = arith.constant 7 : i32
        %scan3A_336 = arith.addi %scan3A_334, %scan3A_335 : i32
        %scan3A_337 = arith.constant 1 : i32
        %scan3A_338 = scf.for %scan3A_340 = %scan3A_334 to %scan3A_336 step %scan3A_337 iter_args(%scan3A_341 = %scan3A_333) -> (i32)  : i32 {
          %broadcast_in_dim3A_342 = arith.constant -1.000000e+00 : f32
          %broadcast_in_dim3A_343 = vector.broadcast %broadcast_in_dim3A_342 : f32 to vector<16xf32>
          %mul3A_344 = arith.constant 16 : i32
          %mul3A_345 = arith.muli %scan3A_340, %mul3A_344 : i32
          %swap3A_346 = arith.index_cast %mul3A_345 : i32 to index
          %swap3A_347 = tpu.vector_load %arg8[%swap3A_346] {strides = array<i32>} : memref<4112xf32, #tpu.memory_space<vmem>>, vector<16xf32>,
          %swap3A_348 = vector.shape_cast %swap3A_347 : vector<16xf32> to vector<16xf32>
          %swap3A_349 = vector.shape_cast %broadcast_in_dim3A_343 : vector<16xf32> to vector<16xf32>
          tpu.vector_store %arg8[%swap3A_346], %swap3A_349 {strides = array<i32>} : memref<4112xf32, #tpu.memory_space<vmem>>, vector<16xf32>,
          %broadcast_in_dim3A_350 = arith.constant 2147483647 : i32
          %broadcast_in_dim3A_351 = vector.broadcast %broadcast_in_dim3A_350 : i32 to vector<16xi32>
          %mul3A_352 = arith.constant 16 : i32
          %mul3A_353 = arith.muli %scan3A_340, %mul3A_352 : i32
          %swap3A_354 = arith.index_cast %mul3A_353 : i32 to index
          %swap3A_355 = tpu.vector_load %arg10[%swap3A_354] {strides = array<i32>} : memref<4112xi32, #tpu.memory_space<vmem>>, vector<16xi32>,
          %swap3A_356 = vector.shape_cast %swap3A_355 : vector<16xi32> to vector<16xi32>
          %swap3A_357 = vector.shape_cast %broadcast_in_dim3A_351 : vector<16xi32> to vector<16xi32>
          tpu.vector_store %arg10[%swap3A_354], %swap3A_357 {strides = array<i32>} : memref<4112xi32, #tpu.memory_space<vmem>>, vector<16xi32>,
          %scan3A_358 = arith.constant 0 : i32
          scf.yield %scan3A_358 : i32
        }
        %scan3A_339 = arith.constant 7 : i32
      } else {
      }
      %add3A_256 = arith.constant 2 : i32
      %add3A_257 = arith.addi %add3A_181, %add3A_256 : i32
      %add3A_258 = arith.constant 128 : i32
      %add3A_259 = arith.addi %mul3A_2, %add3A_258 : i32
      %lt3A_260 = arith.cmpi slt, %add3A_257, %add3A_259 : i32
      %convert_element_type3A_261 = arith.extui %lt3A_260 : i1 to i32
      %cond3A_262 = arith.constant 0 : i32
      %cond3A_263 = arith.cmpi ne, %convert_element_type3A_261, %cond3A_262 : i32
      scf.if %cond3A_263 {
        %add3A_290 = arith.constant 2 : i32
        %add3A_291 = arith.addi %add3A_181, %add3A_290 : i32
        %dma_start3A_292 = arith.constant 0 : i32
        %dma_start3A_293 = tpu.memref_slice %arg2[%add3A_291, %dma_start3A_292] : memref<4096x4096xf32, #tpu.memory_space<hbm>> -> memref<1x4096xf32, #tpu.memory_space<hbm>>
        %dma_start3A_294 = tpu.memref_squeeze %dma_start3A_293 : memref<1x4096xf32, #tpu.memory_space<hbm>> -> memref<4096xf32, #tpu.memory_space<hbm>>
        %dma_start3A_295 = arith.constant 0 : i32
        %dma_start3A_296 = tpu.memref_slice %arg2[%add3A_291, %dma_start3A_295] : memref<4096x4096xf32, #tpu.memory_space<hbm>> -> memref<1x4096xf32, #tpu.memory_space<hbm>>
        %dma_start3A_297 = tpu.memref_squeeze %dma_start3A_296 : memref<1x4096xf32, #tpu.memory_space<hbm>> -> memref<4096xf32, #tpu.memory_space<hbm>>
        tpu.enqueue_dma source(%dma_start3A_297 : memref<4096xf32, #tpu.memory_space<hbm>>) target(%arg6 : memref<4096xf32, #tpu.memory_space<vmem>>) target_semaphore(%arg12 : memref<!tpu.dma_semaphore, #tpu.memory_space<semaphore_mem>>)
      } else {
      }
      %gt3A_264 = arith.constant 0 : i32
      %gt3A_265 = arith.cmpi sgt, %scan3A_72, %gt3A_264 : i32
      %convert_element_type3A_266 = arith.extui %gt3A_265 : i1 to i32
      %cond3A_267 = arith.constant 0 : i32
      %cond3A_268 = arith.cmpi ne, %convert_element_type3A_266, %cond3A_267 : i32
      scf.if %cond3A_268 {
        %sub3A_290 = arith.constant 2 : i32
        %sub3A_291 = arith.subi %add3A_181, %sub3A_290 : i32
        %dma_wait3A_292 = arith.constant 0 : i32
        %dma_wait3A_293 = tpu.memref_slice %arg8[%dma_wait3A_292] : memref<4112xf32, #tpu.memory_space<vmem>> -> memref<128xf32, #tpu.memory_space<vmem>>
        %dma_wait3A_294 = arith.constant 0 : i32
        %dma_wait3A_295 = tpu.memref_slice %arg3[%sub3A_291, %dma_wait3A_294] : memref<4096x128xf32, #tpu.memory_space<hbm>> -> memref<1x128xf32, #tpu.memory_space<hbm>>
        %dma_wait3A_296 = tpu.memref_squeeze %dma_wait3A_295 : memref<1x128xf32, #tpu.memory_space<hbm>> -> memref<128xf32, #tpu.memory_space<hbm>>
        %dma_wait3A_297 = arith.constant 0 : i32
        %dma_wait3A_298 = tpu.memref_slice %arg3[%sub3A_291, %dma_wait3A_297] : memref<4096x128xf32, #tpu.memory_space<hbm>> -> memref<1x128xf32, #tpu.memory_space<hbm>>
        %dma_wait3A_299 = tpu.memref_squeeze %dma_wait3A_298 : memref<1x128xf32, #tpu.memory_space<hbm>> -> memref<128xf32, #tpu.memory_space<hbm>>
        %dma_wait3A_300 = arith.constant 0 : i32
        %dma_wait3A_301 = tpu.memref_slice %arg8[%dma_wait3A_300] : memref<4112xf32, #tpu.memory_space<vmem>> -> memref<128xf32, #tpu.memory_space<vmem>>
        tpu.wait_dma2 semaphore(%arg14 : memref<!tpu.dma_semaphore, #tpu.memory_space<semaphore_mem>>) src(%dma_wait3A_301 : memref<128xf32, #tpu.memory_space<vmem>>) dst(%dma_wait3A_299 : memref<128xf32, #tpu.memory_space<hbm>>)
        %sub3A_302 = arith.constant 2 : i32
        %sub3A_303 = arith.subi %add3A_181, %sub3A_302 : i32
        %dma_wait3A_304 = arith.constant 0 : i32
        %dma_wait3A_305 = tpu.memref_slice %arg10[%dma_wait3A_304] : memref<4112xi32, #tpu.memory_space<vmem>> -> memref<128xi32, #tpu.memory_space<vmem>>
        %dma_wait3A_306 = arith.constant 0 : i32
        %dma_wait3A_307 = tpu.memref_slice %arg4[%sub3A_303, %dma_wait3A_306] : memref<4096x128xi32, #tpu.memory_space<hbm>> -> memref<1x128xi32, #tpu.memory_space<hbm>>
        %dma_wait3A_308 = tpu.memref_squeeze %dma_wait3A_307 : memref<1x128xi32, #tpu.memory_space<hbm>> -> memref<128xi32, #tpu.memory_space<hbm>>
        %dma_wait3A_309 = arith.constant 0 : i32
        %dma_wait3A_310 = tpu.memref_slice %arg4[%sub3A_303, %dma_wait3A_309] : memref<4096x128xi32, #tpu.memory_space<hbm>> -> memref<1x128xi32, #tpu.memory_space<hbm>>
        %dma_wait3A_311 = tpu.memref_squeeze %dma_wait3A_310 : memref<1x128xi32, #tpu.memory_space<hbm>> -> memref<128xi32, #tpu.memory_space<hbm>>
        %dma_wait3A_312 = arith.constant 0 : i32
        %dma_wait3A_313 = tpu.memref_slice %arg10[%dma_wait3A_312] : memref<4112xi32, #tpu.memory_space<vmem>> -> memref<128xi32, #tpu.memory_space<vmem>>
        tpu.wait_dma2 semaphore(%arg16 : memref<!tpu.dma_semaphore, #tpu.memory_space<semaphore_mem>>) src(%dma_wait3A_313 : memref<128xi32, #tpu.memory_space<vmem>>) dst(%dma_wait3A_311 : memref<128xi32, #tpu.memory_space<hbm>>)
      } else {
      }
      %dma_start3A_269 = arith.constant 0 : i32
      %dma_start3A_270 = tpu.memref_slice %arg8[%dma_start3A_269] : memref<4112xf32, #tpu.memory_space<vmem>> -> memref<128xf32, #tpu.memory_space<vmem>>
      %dma_start3A_271 = arith.constant 0 : i32
      %dma_start3A_272 = tpu.memref_slice %arg3[%add3A_181, %dma_start3A_271] : memref<4096x128xf32, #tpu.memory_space<hbm>> -> memref<1x128xf32, #tpu.memory_space<hbm>>
      %dma_start3A_273 = tpu.memref_squeeze %dma_start3A_272 : memref<1x128xf32, #tpu.memory_space<hbm>> -> memref<128xf32, #tpu.memory_space<hbm>>
      %dma_start3A_274 = arith.constant 0 : i32
      %dma_start3A_275 = tpu.memref_slice %arg3[%add3A_181, %dma_start3A_274] : memref<4096x128xf32, #tpu.memory_space<hbm>> -> memref<1x128xf32, #tpu.memory_space<hbm>>
      %dma_start3A_276 = tpu.memref_squeeze %dma_start3A_275 : memref<1x128xf32, #tpu.memory_space<hbm>> -> memref<128xf32, #tpu.memory_space<hbm>>
      %dma_start3A_277 = arith.constant 0 : i32
      %dma_start3A_278 = tpu.memref_slice %arg8[%dma_start3A_277] : memref<4112xf32, #tpu.memory_space<vmem>> -> memref<128xf32, #tpu.memory_space<vmem>>
      tpu.enqueue_dma source(%dma_start3A_278 : memref<128xf32, #tpu.memory_space<vmem>>) target(%dma_start3A_276 : memref<128xf32, #tpu.memory_space<hbm>>) target_semaphore(%arg14 : memref<!tpu.dma_semaphore, #tpu.memory_space<semaphore_mem>>)
      %dma_start3A_279 = arith.constant 0 : i32
      %dma_start3A_280 = tpu.memref_slice %arg10[%dma_start3A_279] : memref<4112xi32, #tpu.memory_space<vmem>> -> memref<128xi32, #tpu.memory_space<vmem>>
      %dma_start3A_281 = arith.constant 0 : i32
      %dma_start3A_282 = tpu.memref_slice %arg4[%add3A_181, %dma_start3A_281] : memref<4096x128xi32, #tpu.memory_space<hbm>> -> memref<1x128xi32, #tpu.memory_space<hbm>>
      %dma_start3A_283 = tpu.memref_squeeze %dma_start3A_282 : memref<1x128xi32, #tpu.memory_space<hbm>> -> memref<128xi32, #tpu.memory_space<hbm>>
      %dma_start3A_284 = arith.constant 0 : i32
      %dma_start3A_285 = tpu.memref_slice %arg4[%add3A_181, %dma_start3A_284] : memref<4096x128xi32, #tpu.memory_space<hbm>> -> memref<1x128xi32, #tpu.memory_space<hbm>>
      %dma_start3A_286 = tpu.memref_squeeze %dma_start3A_285 : memref<1x128xi32, #tpu.memory_space<hbm>> -> memref<128xi32, #tpu.memory_space<hbm>>
      %dma_start3A_287 = arith.constant 0 : i32
      %dma_start3A_288 = tpu.memref_slice %arg10[%dma_start3A_287] : memref<4112xi32, #tpu.memory_space<vmem>> -> memref<128xi32, #tpu.memory_space<vmem>>
      tpu.enqueue_dma source(%dma_start3A_288 : memref<128xi32, #tpu.memory_space<vmem>>) target(%dma_start3A_286 : memref<128xi32, #tpu.memory_space<hbm>>) target_semaphore(%arg16 : memref<!tpu.dma_semaphore, #tpu.memory_space<semaphore_mem>>)
      %scan3A_289 = arith.constant 0 : i32
      scf.yield %scan3A_289 : i32
    }
    %scan3A_21 = arith.constant 64 : i32
    %add3A_22 = arith.constant 128 : i32
    %add3A_23 = arith.addi %mul3A_2, %add3A_22 : i32
    %sub3A = arith.constant 2 : i32
    %sub3A_24 = arith.subi %add3A_23, %sub3A : i32
    %add3A_25 = arith.constant 0 : i32
    %add3A_26 = arith.addi %sub3A_24, %add3A_25 : i32
    %dma_wait3A = arith.constant 0 : i32
    %dma_wait3A_27 = tpu.memref_slice %arg7[%dma_wait3A] : memref<4112xf32, #tpu.memory_space<vmem>> -> memref<128xf32, #tpu.memory_space<vmem>>
    %dma_wait3A_28 = arith.constant 0 : i32
    %dma_wait3A_29 = tpu.memref_slice %arg3[%add3A_26, %dma_wait3A_28] : memref<4096x128xf32, #tpu.memory_space<hbm>> -> memref<1x128xf32, #tpu.memory_space<hbm>>
    %dma_wait3A_30 = tpu.memref_squeeze %dma_wait3A_29 : memref<1x128xf32, #tpu.memory_space<hbm>> -> memref<128xf32, #tpu.memory_space<hbm>>
    %dma_wait3A_31 = arith.constant 0 : i32
    %dma_wait3A_32 = tpu.memref_slice %arg3[%add3A_26, %dma_wait3A_31] : memref<4096x128xf32, #tpu.memory_space<hbm>> -> memref<1x128xf32, #tpu.memory_space<hbm>>
    %dma_wait3A_33 = tpu.memref_squeeze %dma_wait3A_32 : memref<1x128xf32, #tpu.memory_space<hbm>> -> memref<128xf32, #tpu.memory_space<hbm>>
    %dma_wait3A_34 = arith.constant 0 : i32
    %dma_wait3A_35 = tpu.memref_slice %arg7[%dma_wait3A_34] : memref<4112xf32, #tpu.memory_space<vmem>> -> memref<128xf32, #tpu.memory_space<vmem>>
    tpu.wait_dma2 semaphore(%arg13 : memref<!tpu.dma_semaphore, #tpu.memory_space<semaphore_mem>>) src(%dma_wait3A_35 : memref<128xf32, #tpu.memory_space<vmem>>) dst(%dma_wait3A_33 : memref<128xf32, #tpu.memory_space<hbm>>)
    %dma_wait3A_36 = arith.constant 0 : i32
    %dma_wait3A_37 = tpu.memref_slice %arg9[%dma_wait3A_36] : memref<4112xi32, #tpu.memory_space<vmem>> -> memref<128xi32, #tpu.memory_space<vmem>>
    %dma_wait3A_38 = arith.constant 0 : i32
    %dma_wait3A_39 = tpu.memref_slice %arg4[%add3A_26, %dma_wait3A_38] : memref<4096x128xi32, #tpu.memory_space<hbm>> -> memref<1x128xi32, #tpu.memory_space<hbm>>
    %dma_wait3A_40 = tpu.memref_squeeze %dma_wait3A_39 : memref<1x128xi32, #tpu.memory_space<hbm>> -> memref<128xi32, #tpu.memory_space<hbm>>
    %dma_wait3A_41 = arith.constant 0 : i32
    %dma_wait3A_42 = tpu.memref_slice %arg4[%add3A_26, %dma_wait3A_41] : memref<4096x128xi32, #tpu.memory_space<hbm>> -> memref<1x128xi32, #tpu.memory_space<hbm>>
    %dma_wait3A_43 = tpu.memref_squeeze %dma_wait3A_42 : memref<1x128xi32, #tpu.memory_space<hbm>> -> memref<128xi32, #tpu.memory_space<hbm>>
    %dma_wait3A_44 = arith.constant 0 : i32
    %dma_wait3A_45 = tpu.memref_slice %arg9[%dma_wait3A_44] : memref<4112xi32, #tpu.memory_space<vmem>> -> memref<128xi32, #tpu.memory_space<vmem>>
    tpu.wait_dma2 semaphore(%arg15 : memref<!tpu.dma_semaphore, #tpu.memory_space<semaphore_mem>>) src(%dma_wait3A_45 : memref<128xi32, #tpu.memory_space<vmem>>) dst(%dma_wait3A_43 : memref<128xi32, #tpu.memory_space<hbm>>)
    %add3A_46 = arith.constant 128 : i32
    %add3A_47 = arith.addi %mul3A_2, %add3A_46 : i32
    %sub3A_48 = arith.constant 2 : i32
    %sub3A_49 = arith.subi %add3A_47, %sub3A_48 : i32
    %add3A_50 = arith.constant 1 : i32
    %add3A_51 = arith.addi %sub3A_49, %add3A_50 : i32
    %dma_wait3A_52 = arith.constant 0 : i32
    %dma_wait3A_53 = tpu.memref_slice %arg8[%dma_wait3A_52] : memref<4112xf32, #tpu.memory_space<vmem>> -> memref<128xf32, #tpu.memory_space<vmem>>
    %dma_wait3A_54 = arith.constant 0 : i32
    %dma_wait3A_55 = tpu.memref_slice %arg3[%add3A_51, %dma_wait3A_54] : memref<4096x128xf32, #tpu.memory_space<hbm>> -> memref<1x128xf32, #tpu.memory_space<hbm>>
    %dma_wait3A_56 = tpu.memref_squeeze %dma_wait3A_55 : memref<1x128xf32, #tpu.memory_space<hbm>> -> memref<128xf32, #tpu.memory_space<hbm>>
    %dma_wait3A_57 = arith.constant 0 : i32
    %dma_wait3A_58 = tpu.memref_slice %arg3[%add3A_51, %dma_wait3A_57] : memref<4096x128xf32, #tpu.memory_space<hbm>> -> memref<1x128xf32, #tpu.memory_space<hbm>>
    %dma_wait3A_59 = tpu.memref_squeeze %dma_wait3A_58 : memref<1x128xf32, #tpu.memory_space<hbm>> -> memref<128xf32, #tpu.memory_space<hbm>>
    %dma_wait3A_60 = arith.constant 0 : i32
    %dma_wait3A_61 = tpu.memref_slice %arg8[%dma_wait3A_60] : memref<4112xf32, #tpu.memory_space<vmem>> -> memref<128xf32, #tpu.memory_space<vmem>>
    tpu.wait_dma2 semaphore(%arg14 : memref<!tpu.dma_semaphore, #tpu.memory_space<semaphore_mem>>) src(%dma_wait3A_61 : memref<128xf32, #tpu.memory_space<vmem>>) dst(%dma_wait3A_59 : memref<128xf32, #tpu.memory_space<hbm>>)
    %dma_wait3A_62 = arith.constant 0 : i32
    %dma_wait3A_63 = tpu.memref_slice %arg10[%dma_wait3A_62] : memref<4112xi32, #tpu.memory_space<vmem>> -> memref<128xi32, #tpu.memory_space<vmem>>
    %dma_wait3A_64 = arith.constant 0 : i32
    %dma_wait3A_65 = tpu.memref_slice %arg4[%add3A_51, %dma_wait3A_64] : memref<4096x128xi32, #tpu.memory_space<hbm>> -> memref<1x128xi32, #tpu.memory_space<hbm>>
    %dma_wait3A_66 = tpu.memref_squeeze %dma_wait3A_65 : memref<1x128xi32, #tpu.memory_space<hbm>> -> memref<128xi32, #tpu.memory_space<hbm>>
    %dma_wait3A_67 = arith.constant 0 : i32
    %dma_wait3A_68 = tpu.memref_slice %arg4[%add3A_51, %dma_wait3A_67] : memref<4096x128xi32, #tpu.memory_space<hbm>> -> memref<1x128xi32, #tpu.memory_space<hbm>>
    %dma_wait3A_69 = tpu.memref_squeeze %dma_wait3A_68 : memref<1x128xi32, #tpu.memory_space<hbm>> -> memref<128xi32, #tpu.memory_space<hbm>>
    %dma_wait3A_70 = arith.constant 0 : i32
    %dma_wait3A_71 = tpu.memref_slice %arg10[%dma_wait3A_70] : memref<4112xi32, #tpu.memory_space<vmem>> -> memref<128xi32, #tpu.memory_space<vmem>>
    tpu.wait_dma2 semaphore(%arg16 : memref<!tpu.dma_semaphore, #tpu.memory_space<semaphore_mem>>) src(%dma_wait3A_71 : memref<128xi32, #tpu.memory_space<vmem>>) dst(%dma_wait3A_69 : memref<128xi32, #tpu.memory_space<hbm>>)
    return
  }
}

module attributes {stable_mosaic.version = 14 : i64} {
  func.func @_proj_kernel(%arg0: memref<4096x512xf32, #tpu.memory_space<vmem>>, %arg1: memref<512x128xf32, #tpu.memory_space<vmem>>, %arg2: memref<1x128xf32, #tpu.memory_space<vmem>>, %arg3: memref<4096x128xf32, #tpu.memory_space<vmem>>) attributes {dimension_semantics = [], scalar_prefetch = 0 : i64, scratch_operands = 0 : i64, tpu.core_type = #tpu.core_type<tc>} {
    %get3A = arith.constant 0 : index
    %get3A_0 = arith.constant 0 : index
    %get3A_1 = vector.load %arg0[%get3A, %get3A_0] : memref<4096x512xf32, #tpu.memory_space<vmem>>, vector<4096x512xf32>
    %get3A_2 = arith.constant 0 : index
    %get3A_3 = arith.constant 0 : index
    %get3A_4 = vector.load %arg1[%get3A_2, %get3A_3] : memref<512x128xf32, #tpu.memory_space<vmem>>, vector<512x128xf32>
    %dot_general3A = arith.constant dense<0.000000e+00> : vector<4096x128xf32>
    %dot_general3A_5 = tpu.matmul %get3A_1, %get3A_4, %dot_general3A {dimension_numbers = #tpu.dot_dimension_numbers<[1], [0], [0], [1], [0, 0, 1, 1], [], []>, transpose_lhs_hint = false} : vector<4096x512xf32>, vector<512x128xf32>, vector<4096x128xf32> -> vector<4096x128xf32>
    %get3A_6 = arith.constant 0 : index
    %get3A_7 = arith.constant 0 : index
    %get3A_8 = vector.load %arg2[%get3A_6, %get3A_7] : memref<1x128xf32, #tpu.memory_space<vmem>>, vector<1x128xf32>
    %add3A = vector.broadcast %get3A_8 : vector<1x128xf32> to vector<4096x128xf32>
    %add3A_9 = arith.addf %dot_general3A_5, %add3A : vector<4096x128xf32>
    %swap3A = arith.constant 0 : index
    %swap3A_10 = arith.constant 0 : index
    %swap3A_11 = vector.load %arg3[%swap3A, %swap3A_10] : memref<4096x128xf32, #tpu.memory_space<vmem>>, vector<4096x128xf32>
    tpu.vector_store %arg3[%swap3A, %swap3A_10], %add3A_9 {strides = array<i32>} : memref<4096x128xf32, #tpu.memory_space<vmem>>, vector<4096x128xf32>,
    return
  }
}

module attributes {stable_mosaic.version = 14 : i64} {
  func.func @_adj_kernel(%arg0: i32, %arg1: memref<256x128xf32, #tpu.memory_space<vmem>>, %arg2: memref<4096x128xf32, #tpu.memory_space<vmem>>, %arg3: memref<256x4096xf32, #tpu.memory_space<vmem>>) attributes {dimension_semantics = [#tpu.dimension_semantics<arbitrary>], iteration_bounds = array<i64: 16>, scalar_prefetch = 0 : i64, scratch_operands = 0 : i64, tpu.core_type = #tpu.core_type<tc>, window_params = [{transform_indices = @transform_0, window_bounds = array<i64: 256, 128>}, {pipeline_mode = #tpu.pipeline_mode<synchronous>, transform_indices = @transform_1, window_bounds = array<i64: 4096, 128>}, {transform_indices = @transform_2, window_bounds = array<i64: 256, 4096>}]} {
    %get3A = arith.constant 0 : index
    %get3A_0 = arith.constant 0 : index
    %get3A_1 = vector.load %arg1[%get3A, %get3A_0] : memref<256x128xf32, #tpu.memory_space<vmem>>, vector<256x128xf32>
    %get3A_2 = arith.constant 0 : index
    %get3A_3 = arith.constant 0 : index
    %get3A_4 = vector.load %arg2[%get3A_2, %get3A_3] : memref<4096x128xf32, #tpu.memory_space<vmem>>, vector<4096x128xf32>
    %dot_general3A = arith.constant dense<0.000000e+00> : vector<256x4096xf32>
    %dot_general3A_5 = tpu.matmul %get3A_1, %get3A_4, %dot_general3A {dimension_numbers = #tpu.dot_dimension_numbers<[1], [1], [0], [0], [0, 0, 1, 0], [], []>, transpose_lhs_hint = false} : vector<256x128xf32>, vector<4096x128xf32>, vector<256x4096xf32> -> vector<256x4096xf32>
    %reduce_max3A = arith.constant dense<0xFF800000> : vector<256xf32>
    %reduce_max3A_6 = vector.multi_reduction <maximumf>, %dot_general3A_5, %reduce_max3A [1] : vector<256x4096xf32> to vector<256xf32>
    %broadcast_in_dim3A = vector.shape_cast %reduce_max3A_6 : vector<256xf32> to vector<256x1xf32>
    %sub3A = vector.broadcast %broadcast_in_dim3A : vector<256x1xf32> to vector<256x4096xf32>
    %sub3A_7 = arith.subf %dot_general3A_5, %sub3A : vector<256x4096xf32>
    %exp3A = math.exp %sub3A_7 : vector<256x4096xf32>
    %reduce_sum3A = arith.constant dense<0.000000e+00> : vector<256xf32>
    %reduce_sum3A_8 = vector.multi_reduction <add>, %exp3A, %reduce_sum3A [1] : vector<256x4096xf32> to vector<256xf32>
    %broadcast_in_dim3A_9 = vector.shape_cast %reduce_sum3A_8 : vector<256xf32> to vector<256x1xf32>
    %div3A = vector.broadcast %broadcast_in_dim3A_9 : vector<256x1xf32> to vector<256x4096xf32>
    %div3A_10 = arith.divf %exp3A, %div3A : vector<256x4096xf32>
    %swap3A = arith.constant 0 : index
    %swap3A_11 = arith.constant 0 : index
    %swap3A_12 = vector.load %arg3[%swap3A, %swap3A_11] : memref<256x4096xf32, #tpu.memory_space<vmem>>, vector<256x4096xf32>
    tpu.vector_store %arg3[%swap3A, %swap3A_11], %div3A_10 {strides = array<i32>} : memref<256x4096xf32, #tpu.memory_space<vmem>>, vector<256x4096xf32>,
    return
  }
  func.func @transform_0(%arg0: i32) -> (i32, i32) {
    %c0_i32 = arith.constant 0 : i32
    %c0_i32_0 = arith.constant 0 : i32
    return %arg0, %c0_i32 : i32, i32
  }
  func.func @transform_1(%arg0: i32) -> (i32, i32) {
    %c0_i32 = arith.constant 0 : i32
    %c0_i32_0 = arith.constant 0 : i32
    %c0_i32_1 = arith.constant 0 : i32
    return %c0_i32, %c0_i32_0 : i32, i32
  }
  func.func @transform_2(%arg0: i32) -> (i32, i32) {
    %c0_i32 = arith.constant 0 : i32
    %c0_i32_0 = arith.constant 0 : i32
    return %arg0, %c0_i32 : i32, i32
  }
}

module attributes {stable_mosaic.version = 14 : i64} {
  func.func @_select_kernel(%arg0: i32, %arg1: memref<256x128xf32, #tpu.memory_space<vmem>>, %arg2: memref<256x128xi32, #tpu.memory_space<vmem>>, %arg3: memref<256x16xi32, #tpu.memory_space<vmem>>) attributes {dimension_semantics = [#tpu.dimension_semantics<arbitrary>], iteration_bounds = array<i64: 16>, scalar_prefetch = 0 : i64, scratch_operands = 0 : i64, tpu.core_type = #tpu.core_type<tc>, window_params = [{transform_indices = @transform_0, window_bounds = array<i64: 256, 128>}, {transform_indices = @transform_1, window_bounds = array<i64: 256, 128>}, {transform_indices = @transform_2, window_bounds = array<i64: 256, 16>}]} {
    %get3A = arith.constant 0 : index
    %get3A_0 = arith.constant 0 : index
    %get3A_1 = vector.load %arg1[%get3A, %get3A_0] : memref<256x128xf32, #tpu.memory_space<vmem>>, vector<256x128xf32>
    %get3A_2 = arith.constant 0 : index
    %get3A_3 = arith.constant 0 : index
    %get3A_4 = vector.load %arg2[%get3A_2, %get3A_3] : memref<256x128xi32, #tpu.memory_space<vmem>>, vector<256x128xi32>
    %reduce_max3A = arith.constant dense<0xFF800000> : vector<256xf32>
    %reduce_max3A_5 = vector.multi_reduction <maximumf>, %get3A_1, %reduce_max3A [1] : vector<256x128xf32> to vector<256xf32>
    %broadcast_in_dim3A = vector.shape_cast %reduce_max3A_5 : vector<256xf32> to vector<256x1xf32>
    %eq3A = vector.broadcast %broadcast_in_dim3A : vector<256x1xf32> to vector<256x128xf32>
    %eq3A_6 = arith.cmpf oeq, %get3A_1, %eq3A : vector<256x128xf32>
    %jit3A = arith.constant 2147483647 : i32
    %broadcast_in_dim3A_7 = vector.broadcast %jit3A : i32 to vector<256x128xi32>
    %select_n3A = arith.select %eq3A_6, %get3A_4, %broadcast_in_dim3A_7 : vector<256x128xi1>, vector<256x128xi32>
    %reduce_min3A = arith.constant dense<2147483647> : vector<256xi32>
    %reduce_min3A_8 = vector.multi_reduction <minsi>, %select_n3A, %reduce_min3A [1] : vector<256x128xi32> to vector<256xi32>
    %eq3A_9 = vector.broadcast %broadcast_in_dim3A : vector<256x1xf32> to vector<256x128xf32>
    %eq3A_10 = arith.cmpf oeq, %get3A_1, %eq3A_9 : vector<256x128xf32>
    %broadcast_in_dim3A_11 = vector.shape_cast %reduce_min3A_8 : vector<256xi32> to vector<256x1xi32>
    %eq3A_12 = vector.broadcast %broadcast_in_dim3A_11 : vector<256x1xi32> to vector<256x128xi32>
    %eq3A_13 = arith.cmpi eq, %get3A_4, %eq3A_12 : vector<256x128xi32>
    %and3A = arith.andi %eq3A_10, %eq3A_13 : vector<256x128xi1>
    %jit3A_14 = arith.constant -2.000000e+00 : f32
    %broadcast_in_dim3A_15 = vector.broadcast %jit3A_14 : f32 to vector<256x128xf32>
    %select_n3A_16 = arith.select %and3A, %broadcast_in_dim3A_15, %get3A_1 : vector<256x128xi1>, vector<256x128xf32>
    %reduce_max3A_17 = arith.constant dense<0xFF800000> : vector<256xf32>
    %reduce_max3A_18 = vector.multi_reduction <maximumf>, %select_n3A_16, %reduce_max3A_17 [1] : vector<256x128xf32> to vector<256xf32>
    %broadcast_in_dim3A_19 = vector.shape_cast %reduce_max3A_18 : vector<256xf32> to vector<256x1xf32>
    %eq3A_20 = vector.broadcast %broadcast_in_dim3A_19 : vector<256x1xf32> to vector<256x128xf32>
    %eq3A_21 = arith.cmpf oeq, %select_n3A_16, %eq3A_20 : vector<256x128xf32>
    %jit3A_22 = arith.constant 2147483647 : i32
    %broadcast_in_dim3A_23 = vector.broadcast %jit3A_22 : i32 to vector<256x128xi32>
    %select_n3A_24 = arith.select %eq3A_21, %get3A_4, %broadcast_in_dim3A_23 : vector<256x128xi1>, vector<256x128xi32>
    %reduce_min3A_25 = arith.constant dense<2147483647> : vector<256xi32>
    %reduce_min3A_26 = vector.multi_reduction <minsi>, %select_n3A_24, %reduce_min3A_25 [1] : vector<256x128xi32> to vector<256xi32>
    %eq3A_27 = vector.broadcast %broadcast_in_dim3A_19 : vector<256x1xf32> to vector<256x128xf32>
    %eq3A_28 = arith.cmpf oeq, %select_n3A_16, %eq3A_27 : vector<256x128xf32>
    %broadcast_in_dim3A_29 = vector.shape_cast %reduce_min3A_26 : vector<256xi32> to vector<256x1xi32>
    %eq3A_30 = vector.broadcast %broadcast_in_dim3A_29 : vector<256x1xi32> to vector<256x128xi32>
    %eq3A_31 = arith.cmpi eq, %get3A_4, %eq3A_30 : vector<256x128xi32>
    %and3A_32 = arith.andi %eq3A_28, %eq3A_31 : vector<256x128xi1>
    %jit3A_33 = arith.constant -2.000000e+00 : f32
    %broadcast_in_dim3A_34 = vector.broadcast %jit3A_33 : f32 to vector<256x128xf32>
    %select_n3A_35 = arith.select %and3A_32, %broadcast_in_dim3A_34, %select_n3A_16 : vector<256x128xi1>, vector<256x128xf32>
    %reduce_max3A_36 = arith.constant dense<0xFF800000> : vector<256xf32>
    %reduce_max3A_37 = vector.multi_reduction <maximumf>, %select_n3A_35, %reduce_max3A_36 [1] : vector<256x128xf32> to vector<256xf32>
    %broadcast_in_dim3A_38 = vector.shape_cast %reduce_max3A_37 : vector<256xf32> to vector<256x1xf32>
    %eq3A_39 = vector.broadcast %broadcast_in_dim3A_38 : vector<256x1xf32> to vector<256x128xf32>
    %eq3A_40 = arith.cmpf oeq, %select_n3A_35, %eq3A_39 : vector<256x128xf32>
    %jit3A_41 = arith.constant 2147483647 : i32
    %broadcast_in_dim3A_42 = vector.broadcast %jit3A_41 : i32 to vector<256x128xi32>
    %select_n3A_43 = arith.select %eq3A_40, %get3A_4, %broadcast_in_dim3A_42 : vector<256x128xi1>, vector<256x128xi32>
    %reduce_min3A_44 = arith.constant dense<2147483647> : vector<256xi32>
    %reduce_min3A_45 = vector.multi_reduction <minsi>, %select_n3A_43, %reduce_min3A_44 [1] : vector<256x128xi32> to vector<256xi32>
    %eq3A_46 = vector.broadcast %broadcast_in_dim3A_38 : vector<256x1xf32> to vector<256x128xf32>
    %eq3A_47 = arith.cmpf oeq, %select_n3A_35, %eq3A_46 : vector<256x128xf32>
    %broadcast_in_dim3A_48 = vector.shape_cast %reduce_min3A_45 : vector<256xi32> to vector<256x1xi32>
    %eq3A_49 = vector.broadcast %broadcast_in_dim3A_48 : vector<256x1xi32> to vector<256x128xi32>
    %eq3A_50 = arith.cmpi eq, %get3A_4, %eq3A_49 : vector<256x128xi32>
    %and3A_51 = arith.andi %eq3A_47, %eq3A_50 : vector<256x128xi1>
    %jit3A_52 = arith.constant -2.000000e+00 : f32
    %broadcast_in_dim3A_53 = vector.broadcast %jit3A_52 : f32 to vector<256x128xf32>
    %select_n3A_54 = arith.select %and3A_51, %broadcast_in_dim3A_53, %select_n3A_35 : vector<256x128xi1>, vector<256x128xf32>
    %reduce_max3A_55 = arith.constant dense<0xFF800000> : vector<256xf32>
    %reduce_max3A_56 = vector.multi_reduction <maximumf>, %select_n3A_54, %reduce_max3A_55 [1] : vector<256x128xf32> to vector<256xf32>
    %broadcast_in_dim3A_57 = vector.shape_cast %reduce_max3A_56 : vector<256xf32> to vector<256x1xf32>
    %eq3A_58 = vector.broadcast %broadcast_in_dim3A_57 : vector<256x1xf32> to vector<256x128xf32>
    %eq3A_59 = arith.cmpf oeq, %select_n3A_54, %eq3A_58 : vector<256x128xf32>
    %jit3A_60 = arith.constant 2147483647 : i32
    %broadcast_in_dim3A_61 = vector.broadcast %jit3A_60 : i32 to vector<256x128xi32>
    %select_n3A_62 = arith.select %eq3A_59, %get3A_4, %broadcast_in_dim3A_61 : vector<256x128xi1>, vector<256x128xi32>
    %reduce_min3A_63 = arith.constant dense<2147483647> : vector<256xi32>
    %reduce_min3A_64 = vector.multi_reduction <minsi>, %select_n3A_62, %reduce_min3A_63 [1] : vector<256x128xi32> to vector<256xi32>
    %eq3A_65 = vector.broadcast %broadcast_in_dim3A_57 : vector<256x1xf32> to vector<256x128xf32>
    %eq3A_66 = arith.cmpf oeq, %select_n3A_54, %eq3A_65 : vector<256x128xf32>
    %broadcast_in_dim3A_67 = vector.shape_cast %reduce_min3A_64 : vector<256xi32> to vector<256x1xi32>
    %eq3A_68 = vector.broadcast %broadcast_in_dim3A_67 : vector<256x1xi32> to vector<256x128xi32>
    %eq3A_69 = arith.cmpi eq, %get3A_4, %eq3A_68 : vector<256x128xi32>
    %and3A_70 = arith.andi %eq3A_66, %eq3A_69 : vector<256x128xi1>
    %jit3A_71 = arith.constant -2.000000e+00 : f32
    %broadcast_in_dim3A_72 = vector.broadcast %jit3A_71 : f32 to vector<256x128xf32>
    %select_n3A_73 = arith.select %and3A_70, %broadcast_in_dim3A_72, %select_n3A_54 : vector<256x128xi1>, vector<256x128xf32>
    %reduce_max3A_74 = arith.constant dense<0xFF800000> : vector<256xf32>
    %reduce_max3A_75 = vector.multi_reduction <maximumf>, %select_n3A_73, %reduce_max3A_74 [1] : vector<256x128xf32> to vector<256xf32>
    %broadcast_in_dim3A_76 = vector.shape_cast %reduce_max3A_75 : vector<256xf32> to vector<256x1xf32>
    %eq3A_77 = vector.broadcast %broadcast_in_dim3A_76 : vector<256x1xf32> to vector<256x128xf32>
    %eq3A_78 = arith.cmpf oeq, %select_n3A_73, %eq3A_77 : vector<256x128xf32>
    %jit3A_79 = arith.constant 2147483647 : i32
    %broadcast_in_dim3A_80 = vector.broadcast %jit3A_79 : i32 to vector<256x128xi32>
    %select_n3A_81 = arith.select %eq3A_78, %get3A_4, %broadcast_in_dim3A_80 : vector<256x128xi1>, vector<256x128xi32>
    %reduce_min3A_82 = arith.constant dense<2147483647> : vector<256xi32>
    %reduce_min3A_83 = vector.multi_reduction <minsi>, %select_n3A_81, %reduce_min3A_82 [1] : vector<256x128xi32> to vector<256xi32>
    %eq3A_84 = vector.broadcast %broadcast_in_dim3A_76 : vector<256x1xf32> to vector<256x128xf32>
    %eq3A_85 = arith.cmpf oeq, %select_n3A_73, %eq3A_84 : vector<256x128xf32>
    %broadcast_in_dim3A_86 = vector.shape_cast %reduce_min3A_83 : vector<256xi32> to vector<256x1xi32>
    %eq3A_87 = vector.broadcast %broadcast_in_dim3A_86 : vector<256x1xi32> to vector<256x128xi32>
    %eq3A_88 = arith.cmpi eq, %get3A_4, %eq3A_87 : vector<256x128xi32>
    %and3A_89 = arith.andi %eq3A_85, %eq3A_88 : vector<256x128xi1>
    %jit3A_90 = arith.constant -2.000000e+00 : f32
    %broadcast_in_dim3A_91 = vector.broadcast %jit3A_90 : f32 to vector<256x128xf32>
    %select_n3A_92 = arith.select %and3A_89, %broadcast_in_dim3A_91, %select_n3A_73 : vector<256x128xi1>, vector<256x128xf32>
    %reduce_max3A_93 = arith.constant dense<0xFF800000> : vector<256xf32>
    %reduce_max3A_94 = vector.multi_reduction <maximumf>, %select_n3A_92, %reduce_max3A_93 [1] : vector<256x128xf32> to vector<256xf32>
    %broadcast_in_dim3A_95 = vector.shape_cast %reduce_max3A_94 : vector<256xf32> to vector<256x1xf32>
    %eq3A_96 = vector.broadcast %broadcast_in_dim3A_95 : vector<256x1xf32> to vector<256x128xf32>
    %eq3A_97 = arith.cmpf oeq, %select_n3A_92, %eq3A_96 : vector<256x128xf32>
    %jit3A_98 = arith.constant 2147483647 : i32
    %broadcast_in_dim3A_99 = vector.broadcast %jit3A_98 : i32 to vector<256x128xi32>
    %select_n3A_100 = arith.select %eq3A_97, %get3A_4, %broadcast_in_dim3A_99 : vector<256x128xi1>, vector<256x128xi32>
    %reduce_min3A_101 = arith.constant dense<2147483647> : vector<256xi32>
    %reduce_min3A_102 = vector.multi_reduction <minsi>, %select_n3A_100, %reduce_min3A_101 [1] : vector<256x128xi32> to vector<256xi32>
    %eq3A_103 = vector.broadcast %broadcast_in_dim3A_95 : vector<256x1xf32> to vector<256x128xf32>
    %eq3A_104 = arith.cmpf oeq, %select_n3A_92, %eq3A_103 : vector<256x128xf32>
    %broadcast_in_dim3A_105 = vector.shape_cast %reduce_min3A_102 : vector<256xi32> to vector<256x1xi32>
    %eq3A_106 = vector.broadcast %broadcast_in_dim3A_105 : vector<256x1xi32> to vector<256x128xi32>
    %eq3A_107 = arith.cmpi eq, %get3A_4, %eq3A_106 : vector<256x128xi32>
    %and3A_108 = arith.andi %eq3A_104, %eq3A_107 : vector<256x128xi1>
    %jit3A_109 = arith.constant -2.000000e+00 : f32
    %broadcast_in_dim3A_110 = vector.broadcast %jit3A_109 : f32 to vector<256x128xf32>
    %select_n3A_111 = arith.select %and3A_108, %broadcast_in_dim3A_110, %select_n3A_92 : vector<256x128xi1>, vector<256x128xf32>
    %reduce_max3A_112 = arith.constant dense<0xFF800000> : vector<256xf32>
    %reduce_max3A_113 = vector.multi_reduction <maximumf>, %select_n3A_111, %reduce_max3A_112 [1] : vector<256x128xf32> to vector<256xf32>
    %broadcast_in_dim3A_114 = vector.shape_cast %reduce_max3A_113 : vector<256xf32> to vector<256x1xf32>
    %eq3A_115 = vector.broadcast %broadcast_in_dim3A_114 : vector<256x1xf32> to vector<256x128xf32>
    %eq3A_116 = arith.cmpf oeq, %select_n3A_111, %eq3A_115 : vector<256x128xf32>
    %jit3A_117 = arith.constant 2147483647 : i32
    %broadcast_in_dim3A_118 = vector.broadcast %jit3A_117 : i32 to vector<256x128xi32>
    %select_n3A_119 = arith.select %eq3A_116, %get3A_4, %broadcast_in_dim3A_118 : vector<256x128xi1>, vector<256x128xi32>
    %reduce_min3A_120 = arith.constant dense<2147483647> : vector<256xi32>
    %reduce_min3A_121 = vector.multi_reduction <minsi>, %select_n3A_119, %reduce_min3A_120 [1] : vector<256x128xi32> to vector<256xi32>
    %eq3A_122 = vector.broadcast %broadcast_in_dim3A_114 : vector<256x1xf32> to vector<256x128xf32>
    %eq3A_123 = arith.cmpf oeq, %select_n3A_111, %eq3A_122 : vector<256x128xf32>
    %broadcast_in_dim3A_124 = vector.shape_cast %reduce_min3A_121 : vector<256xi32> to vector<256x1xi32>
    %eq3A_125 = vector.broadcast %broadcast_in_dim3A_124 : vector<256x1xi32> to vector<256x128xi32>
    %eq3A_126 = arith.cmpi eq, %get3A_4, %eq3A_125 : vector<256x128xi32>
    %and3A_127 = arith.andi %eq3A_123, %eq3A_126 : vector<256x128xi1>
    %jit3A_128 = arith.constant -2.000000e+00 : f32
    %broadcast_in_dim3A_129 = vector.broadcast %jit3A_128 : f32 to vector<256x128xf32>
    %select_n3A_130 = arith.select %and3A_127, %broadcast_in_dim3A_129, %select_n3A_111 : vector<256x128xi1>, vector<256x128xf32>
    %reduce_max3A_131 = arith.constant dense<0xFF800000> : vector<256xf32>
    %reduce_max3A_132 = vector.multi_reduction <maximumf>, %select_n3A_130, %reduce_max3A_131 [1] : vector<256x128xf32> to vector<256xf32>
    %broadcast_in_dim3A_133 = vector.shape_cast %reduce_max3A_132 : vector<256xf32> to vector<256x1xf32>
    %eq3A_134 = vector.broadcast %broadcast_in_dim3A_133 : vector<256x1xf32> to vector<256x128xf32>
    %eq3A_135 = arith.cmpf oeq, %select_n3A_130, %eq3A_134 : vector<256x128xf32>
    %jit3A_136 = arith.constant 2147483647 : i32
    %broadcast_in_dim3A_137 = vector.broadcast %jit3A_136 : i32 to vector<256x128xi32>
    %select_n3A_138 = arith.select %eq3A_135, %get3A_4, %broadcast_in_dim3A_137 : vector<256x128xi1>, vector<256x128xi32>
    %reduce_min3A_139 = arith.constant dense<2147483647> : vector<256xi32>
    %reduce_min3A_140 = vector.multi_reduction <minsi>, %select_n3A_138, %reduce_min3A_139 [1] : vector<256x128xi32> to vector<256xi32>
    %eq3A_141 = vector.broadcast %broadcast_in_dim3A_133 : vector<256x1xf32> to vector<256x128xf32>
    %eq3A_142 = arith.cmpf oeq, %select_n3A_130, %eq3A_141 : vector<256x128xf32>
    %broadcast_in_dim3A_143 = vector.shape_cast %reduce_min3A_140 : vector<256xi32> to vector<256x1xi32>
    %eq3A_144 = vector.broadcast %broadcast_in_dim3A_143 : vector<256x1xi32> to vector<256x128xi32>
    %eq3A_145 = arith.cmpi eq, %get3A_4, %eq3A_144 : vector<256x128xi32>
    %and3A_146 = arith.andi %eq3A_142, %eq3A_145 : vector<256x128xi1>
    %jit3A_147 = arith.constant -2.000000e+00 : f32
    %broadcast_in_dim3A_148 = vector.broadcast %jit3A_147 : f32 to vector<256x128xf32>
    %select_n3A_149 = arith.select %and3A_146, %broadcast_in_dim3A_148, %select_n3A_130 : vector<256x128xi1>, vector<256x128xf32>
    %reduce_max3A_150 = arith.constant dense<0xFF800000> : vector<256xf32>
    %reduce_max3A_151 = vector.multi_reduction <maximumf>, %select_n3A_149, %reduce_max3A_150 [1] : vector<256x128xf32> to vector<256xf32>
    %broadcast_in_dim3A_152 = vector.shape_cast %reduce_max3A_151 : vector<256xf32> to vector<256x1xf32>
    %eq3A_153 = vector.broadcast %broadcast_in_dim3A_152 : vector<256x1xf32> to vector<256x128xf32>
    %eq3A_154 = arith.cmpf oeq, %select_n3A_149, %eq3A_153 : vector<256x128xf32>
    %jit3A_155 = arith.constant 2147483647 : i32
    %broadcast_in_dim3A_156 = vector.broadcast %jit3A_155 : i32 to vector<256x128xi32>
    %select_n3A_157 = arith.select %eq3A_154, %get3A_4, %broadcast_in_dim3A_156 : vector<256x128xi1>, vector<256x128xi32>
    %reduce_min3A_158 = arith.constant dense<2147483647> : vector<256xi32>
    %reduce_min3A_159 = vector.multi_reduction <minsi>, %select_n3A_157, %reduce_min3A_158 [1] : vector<256x128xi32> to vector<256xi32>
    %eq3A_160 = vector.broadcast %broadcast_in_dim3A_152 : vector<256x1xf32> to vector<256x128xf32>
    %eq3A_161 = arith.cmpf oeq, %select_n3A_149, %eq3A_160 : vector<256x128xf32>
    %broadcast_in_dim3A_162 = vector.shape_cast %reduce_min3A_159 : vector<256xi32> to vector<256x1xi32>
    %eq3A_163 = vector.broadcast %broadcast_in_dim3A_162 : vector<256x1xi32> to vector<256x128xi32>
    %eq3A_164 = arith.cmpi eq, %get3A_4, %eq3A_163 : vector<256x128xi32>
    %and3A_165 = arith.andi %eq3A_161, %eq3A_164 : vector<256x128xi1>
    %jit3A_166 = arith.constant -2.000000e+00 : f32
    %broadcast_in_dim3A_167 = vector.broadcast %jit3A_166 : f32 to vector<256x128xf32>
    %select_n3A_168 = arith.select %and3A_165, %broadcast_in_dim3A_167, %select_n3A_149 : vector<256x128xi1>, vector<256x128xf32>
    %reduce_max3A_169 = arith.constant dense<0xFF800000> : vector<256xf32>
    %reduce_max3A_170 = vector.multi_reduction <maximumf>, %select_n3A_168, %reduce_max3A_169 [1] : vector<256x128xf32> to vector<256xf32>
    %broadcast_in_dim3A_171 = vector.shape_cast %reduce_max3A_170 : vector<256xf32> to vector<256x1xf32>
    %eq3A_172 = vector.broadcast %broadcast_in_dim3A_171 : vector<256x1xf32> to vector<256x128xf32>
    %eq3A_173 = arith.cmpf oeq, %select_n3A_168, %eq3A_172 : vector<256x128xf32>
    %jit3A_174 = arith.constant 2147483647 : i32
    %broadcast_in_dim3A_175 = vector.broadcast %jit3A_174 : i32 to vector<256x128xi32>
    %select_n3A_176 = arith.select %eq3A_173, %get3A_4, %broadcast_in_dim3A_175 : vector<256x128xi1>, vector<256x128xi32>
    %reduce_min3A_177 = arith.constant dense<2147483647> : vector<256xi32>
    %reduce_min3A_178 = vector.multi_reduction <minsi>, %select_n3A_176, %reduce_min3A_177 [1] : vector<256x128xi32> to vector<256xi32>
    %eq3A_179 = vector.broadcast %broadcast_in_dim3A_171 : vector<256x1xf32> to vector<256x128xf32>
    %eq3A_180 = arith.cmpf oeq, %select_n3A_168, %eq3A_179 : vector<256x128xf32>
    %broadcast_in_dim3A_181 = vector.shape_cast %reduce_min3A_178 : vector<256xi32> to vector<256x1xi32>
    %eq3A_182 = vector.broadcast %broadcast_in_dim3A_181 : vector<256x1xi32> to vector<256x128xi32>
    %eq3A_183 = arith.cmpi eq, %get3A_4, %eq3A_182 : vector<256x128xi32>
    %and3A_184 = arith.andi %eq3A_180, %eq3A_183 : vector<256x128xi1>
    %jit3A_185 = arith.constant -2.000000e+00 : f32
    %broadcast_in_dim3A_186 = vector.broadcast %jit3A_185 : f32 to vector<256x128xf32>
    %select_n3A_187 = arith.select %and3A_184, %broadcast_in_dim3A_186, %select_n3A_168 : vector<256x128xi1>, vector<256x128xf32>
    %reduce_max3A_188 = arith.constant dense<0xFF800000> : vector<256xf32>
    %reduce_max3A_189 = vector.multi_reduction <maximumf>, %select_n3A_187, %reduce_max3A_188 [1] : vector<256x128xf32> to vector<256xf32>
    %broadcast_in_dim3A_190 = vector.shape_cast %reduce_max3A_189 : vector<256xf32> to vector<256x1xf32>
    %eq3A_191 = vector.broadcast %broadcast_in_dim3A_190 : vector<256x1xf32> to vector<256x128xf32>
    %eq3A_192 = arith.cmpf oeq, %select_n3A_187, %eq3A_191 : vector<256x128xf32>
    %jit3A_193 = arith.constant 2147483647 : i32
    %broadcast_in_dim3A_194 = vector.broadcast %jit3A_193 : i32 to vector<256x128xi32>
    %select_n3A_195 = arith.select %eq3A_192, %get3A_4, %broadcast_in_dim3A_194 : vector<256x128xi1>, vector<256x128xi32>
    %reduce_min3A_196 = arith.constant dense<2147483647> : vector<256xi32>
    %reduce_min3A_197 = vector.multi_reduction <minsi>, %select_n3A_195, %reduce_min3A_196 [1] : vector<256x128xi32> to vector<256xi32>
    %eq3A_198 = vector.broadcast %broadcast_in_dim3A_190 : vector<256x1xf32> to vector<256x128xf32>
    %eq3A_199 = arith.cmpf oeq, %select_n3A_187, %eq3A_198 : vector<256x128xf32>
    %broadcast_in_dim3A_200 = vector.shape_cast %reduce_min3A_197 : vector<256xi32> to vector<256x1xi32>
    %eq3A_201 = vector.broadcast %broadcast_in_dim3A_200 : vector<256x1xi32> to vector<256x128xi32>
    %eq3A_202 = arith.cmpi eq, %get3A_4, %eq3A_201 : vector<256x128xi32>
    %and3A_203 = arith.andi %eq3A_199, %eq3A_202 : vector<256x128xi1>
    %jit3A_204 = arith.constant -2.000000e+00 : f32
    %broadcast_in_dim3A_205 = vector.broadcast %jit3A_204 : f32 to vector<256x128xf32>
    %select_n3A_206 = arith.select %and3A_203, %broadcast_in_dim3A_205, %select_n3A_187 : vector<256x128xi1>, vector<256x128xf32>
    %reduce_max3A_207 = arith.constant dense<0xFF800000> : vector<256xf32>
    %reduce_max3A_208 = vector.multi_reduction <maximumf>, %select_n3A_206, %reduce_max3A_207 [1] : vector<256x128xf32> to vector<256xf32>
    %broadcast_in_dim3A_209 = vector.shape_cast %reduce_max3A_208 : vector<256xf32> to vector<256x1xf32>
    %eq3A_210 = vector.broadcast %broadcast_in_dim3A_209 : vector<256x1xf32> to vector<256x128xf32>
    %eq3A_211 = arith.cmpf oeq, %select_n3A_206, %eq3A_210 : vector<256x128xf32>
    %jit3A_212 = arith.constant 2147483647 : i32
    %broadcast_in_dim3A_213 = vector.broadcast %jit3A_212 : i32 to vector<256x128xi32>
    %select_n3A_214 = arith.select %eq3A_211, %get3A_4, %broadcast_in_dim3A_213 : vector<256x128xi1>, vector<256x128xi32>
    %reduce_min3A_215 = arith.constant dense<2147483647> : vector<256xi32>
    %reduce_min3A_216 = vector.multi_reduction <minsi>, %select_n3A_214, %reduce_min3A_215 [1] : vector<256x128xi32> to vector<256xi32>
    %eq3A_217 = vector.broadcast %broadcast_in_dim3A_209 : vector<256x1xf32> to vector<256x128xf32>
    %eq3A_218 = arith.cmpf oeq, %select_n3A_206, %eq3A_217 : vector<256x128xf32>
    %broadcast_in_dim3A_219 = vector.shape_cast %reduce_min3A_216 : vector<256xi32> to vector<256x1xi32>
    %eq3A_220 = vector.broadcast %broadcast_in_dim3A_219 : vector<256x1xi32> to vector<256x128xi32>
    %eq3A_221 = arith.cmpi eq, %get3A_4, %eq3A_220 : vector<256x128xi32>
    %and3A_222 = arith.andi %eq3A_218, %eq3A_221 : vector<256x128xi1>
    %jit3A_223 = arith.constant -2.000000e+00 : f32
    %broadcast_in_dim3A_224 = vector.broadcast %jit3A_223 : f32 to vector<256x128xf32>
    %select_n3A_225 = arith.select %and3A_222, %broadcast_in_dim3A_224, %select_n3A_206 : vector<256x128xi1>, vector<256x128xf32>
    %reduce_max3A_226 = arith.constant dense<0xFF800000> : vector<256xf32>
    %reduce_max3A_227 = vector.multi_reduction <maximumf>, %select_n3A_225, %reduce_max3A_226 [1] : vector<256x128xf32> to vector<256xf32>
    %broadcast_in_dim3A_228 = vector.shape_cast %reduce_max3A_227 : vector<256xf32> to vector<256x1xf32>
    %eq3A_229 = vector.broadcast %broadcast_in_dim3A_228 : vector<256x1xf32> to vector<256x128xf32>
    %eq3A_230 = arith.cmpf oeq, %select_n3A_225, %eq3A_229 : vector<256x128xf32>
    %jit3A_231 = arith.constant 2147483647 : i32
    %broadcast_in_dim3A_232 = vector.broadcast %jit3A_231 : i32 to vector<256x128xi32>
    %select_n3A_233 = arith.select %eq3A_230, %get3A_4, %broadcast_in_dim3A_232 : vector<256x128xi1>, vector<256x128xi32>
    %reduce_min3A_234 = arith.constant dense<2147483647> : vector<256xi32>
    %reduce_min3A_235 = vector.multi_reduction <minsi>, %select_n3A_233, %reduce_min3A_234 [1] : vector<256x128xi32> to vector<256xi32>
    %eq3A_236 = vector.broadcast %broadcast_in_dim3A_228 : vector<256x1xf32> to vector<256x128xf32>
    %eq3A_237 = arith.cmpf oeq, %select_n3A_225, %eq3A_236 : vector<256x128xf32>
    %broadcast_in_dim3A_238 = vector.shape_cast %reduce_min3A_235 : vector<256xi32> to vector<256x1xi32>
    %eq3A_239 = vector.broadcast %broadcast_in_dim3A_238 : vector<256x1xi32> to vector<256x128xi32>
    %eq3A_240 = arith.cmpi eq, %get3A_4, %eq3A_239 : vector<256x128xi32>
    %and3A_241 = arith.andi %eq3A_237, %eq3A_240 : vector<256x128xi1>
    %jit3A_242 = arith.constant -2.000000e+00 : f32
    %broadcast_in_dim3A_243 = vector.broadcast %jit3A_242 : f32 to vector<256x128xf32>
    %select_n3A_244 = arith.select %and3A_241, %broadcast_in_dim3A_243, %select_n3A_225 : vector<256x128xi1>, vector<256x128xf32>
    %reduce_max3A_245 = arith.constant dense<0xFF800000> : vector<256xf32>
    %reduce_max3A_246 = vector.multi_reduction <maximumf>, %select_n3A_244, %reduce_max3A_245 [1] : vector<256x128xf32> to vector<256xf32>
    %broadcast_in_dim3A_247 = vector.shape_cast %reduce_max3A_246 : vector<256xf32> to vector<256x1xf32>
    %eq3A_248 = vector.broadcast %broadcast_in_dim3A_247 : vector<256x1xf32> to vector<256x128xf32>
    %eq3A_249 = arith.cmpf oeq, %select_n3A_244, %eq3A_248 : vector<256x128xf32>
    %jit3A_250 = arith.constant 2147483647 : i32
    %broadcast_in_dim3A_251 = vector.broadcast %jit3A_250 : i32 to vector<256x128xi32>
    %select_n3A_252 = arith.select %eq3A_249, %get3A_4, %broadcast_in_dim3A_251 : vector<256x128xi1>, vector<256x128xi32>
    %reduce_min3A_253 = arith.constant dense<2147483647> : vector<256xi32>
    %reduce_min3A_254 = vector.multi_reduction <minsi>, %select_n3A_252, %reduce_min3A_253 [1] : vector<256x128xi32> to vector<256xi32>
    %eq3A_255 = vector.broadcast %broadcast_in_dim3A_247 : vector<256x1xf32> to vector<256x128xf32>
    %eq3A_256 = arith.cmpf oeq, %select_n3A_244, %eq3A_255 : vector<256x128xf32>
    %broadcast_in_dim3A_257 = vector.shape_cast %reduce_min3A_254 : vector<256xi32> to vector<256x1xi32>
    %eq3A_258 = vector.broadcast %broadcast_in_dim3A_257 : vector<256x1xi32> to vector<256x128xi32>
    %eq3A_259 = arith.cmpi eq, %get3A_4, %eq3A_258 : vector<256x128xi32>
    %and3A_260 = arith.andi %eq3A_256, %eq3A_259 : vector<256x128xi1>
    %jit3A_261 = arith.constant -2.000000e+00 : f32
    %broadcast_in_dim3A_262 = vector.broadcast %jit3A_261 : f32 to vector<256x128xf32>
    %select_n3A_263 = arith.select %and3A_260, %broadcast_in_dim3A_262, %select_n3A_244 : vector<256x128xi1>, vector<256x128xf32>
    %reduce_max3A_264 = arith.constant dense<0xFF800000> : vector<256xf32>
    %reduce_max3A_265 = vector.multi_reduction <maximumf>, %select_n3A_263, %reduce_max3A_264 [1] : vector<256x128xf32> to vector<256xf32>
    %broadcast_in_dim3A_266 = vector.shape_cast %reduce_max3A_265 : vector<256xf32> to vector<256x1xf32>
    %eq3A_267 = vector.broadcast %broadcast_in_dim3A_266 : vector<256x1xf32> to vector<256x128xf32>
    %eq3A_268 = arith.cmpf oeq, %select_n3A_263, %eq3A_267 : vector<256x128xf32>
    %jit3A_269 = arith.constant 2147483647 : i32
    %broadcast_in_dim3A_270 = vector.broadcast %jit3A_269 : i32 to vector<256x128xi32>
    %select_n3A_271 = arith.select %eq3A_268, %get3A_4, %broadcast_in_dim3A_270 : vector<256x128xi1>, vector<256x128xi32>
    %reduce_min3A_272 = arith.constant dense<2147483647> : vector<256xi32>
    %reduce_min3A_273 = vector.multi_reduction <minsi>, %select_n3A_271, %reduce_min3A_272 [1] : vector<256x128xi32> to vector<256xi32>
    %eq3A_274 = vector.broadcast %broadcast_in_dim3A_266 : vector<256x1xf32> to vector<256x128xf32>
    %eq3A_275 = arith.cmpf oeq, %select_n3A_263, %eq3A_274 : vector<256x128xf32>
    %broadcast_in_dim3A_276 = vector.shape_cast %reduce_min3A_273 : vector<256xi32> to vector<256x1xi32>
    %eq3A_277 = vector.broadcast %broadcast_in_dim3A_276 : vector<256x1xi32> to vector<256x128xi32>
    %eq3A_278 = arith.cmpi eq, %get3A_4, %eq3A_277 : vector<256x128xi32>
    %and3A_279 = arith.andi %eq3A_275, %eq3A_278 : vector<256x128xi1>
    %jit3A_280 = arith.constant -2.000000e+00 : f32
    %broadcast_in_dim3A_281 = vector.broadcast %jit3A_280 : f32 to vector<256x128xf32>
    %select_n3A_282 = arith.select %and3A_279, %broadcast_in_dim3A_281, %select_n3A_263 : vector<256x128xi1>, vector<256x128xf32>
    %reduce_max3A_283 = arith.constant dense<0xFF800000> : vector<256xf32>
    %reduce_max3A_284 = vector.multi_reduction <maximumf>, %select_n3A_282, %reduce_max3A_283 [1] : vector<256x128xf32> to vector<256xf32>
    %broadcast_in_dim3A_285 = vector.shape_cast %reduce_max3A_284 : vector<256xf32> to vector<256x1xf32>
    %eq3A_286 = vector.broadcast %broadcast_in_dim3A_285 : vector<256x1xf32> to vector<256x128xf32>
    %eq3A_287 = arith.cmpf oeq, %select_n3A_282, %eq3A_286 : vector<256x128xf32>
    %jit3A_288 = arith.constant 2147483647 : i32
    %broadcast_in_dim3A_289 = vector.broadcast %jit3A_288 : i32 to vector<256x128xi32>
    %select_n3A_290 = arith.select %eq3A_287, %get3A_4, %broadcast_in_dim3A_289 : vector<256x128xi1>, vector<256x128xi32>
    %reduce_min3A_291 = arith.constant dense<2147483647> : vector<256xi32>
    %reduce_min3A_292 = vector.multi_reduction <minsi>, %select_n3A_290, %reduce_min3A_291 [1] : vector<256x128xi32> to vector<256xi32>
    %stack3A = vector.shape_cast %reduce_min3A_8 : vector<256xi32> to vector<256x1xi32>
    %stack3A_293 = vector.shape_cast %reduce_min3A_26 : vector<256xi32> to vector<256x1xi32>
    %stack3A_294 = vector.shape_cast %reduce_min3A_45 : vector<256xi32> to vector<256x1xi32>
    %stack3A_295 = vector.shape_cast %reduce_min3A_64 : vector<256xi32> to vector<256x1xi32>
    %stack3A_296 = vector.shape_cast %reduce_min3A_83 : vector<256xi32> to vector<256x1xi32>
    %stack3A_297 = vector.shape_cast %reduce_min3A_102 : vector<256xi32> to vector<256x1xi32>
    %stack3A_298 = vector.shape_cast %reduce_min3A_121 : vector<256xi32> to vector<256x1xi32>
    %stack3A_299 = vector.shape_cast %reduce_min3A_140 : vector<256xi32> to vector<256x1xi32>
    %stack3A_300 = vector.shape_cast %reduce_min3A_159 : vector<256xi32> to vector<256x1xi32>
    %stack3A_301 = vector.shape_cast %reduce_min3A_178 : vector<256xi32> to vector<256x1xi32>
    %stack3A_302 = vector.shape_cast %reduce_min3A_197 : vector<256xi32> to vector<256x1xi32>
    %stack3A_303 = vector.shape_cast %reduce_min3A_216 : vector<256xi32> to vector<256x1xi32>
    %stack3A_304 = vector.shape_cast %reduce_min3A_235 : vector<256xi32> to vector<256x1xi32>
    %stack3A_305 = vector.shape_cast %reduce_min3A_254 : vector<256xi32> to vector<256x1xi32>
    %stack3A_306 = vector.shape_cast %reduce_min3A_273 : vector<256xi32> to vector<256x1xi32>
    %stack3A_307 = vector.shape_cast %reduce_min3A_292 : vector<256xi32> to vector<256x1xi32>
    %stack3A_308 = tpu.concatenate %stack3A, %stack3A_293, %stack3A_294, %stack3A_295, %stack3A_296, %stack3A_297, %stack3A_298, %stack3A_299, %stack3A_300, %stack3A_301, %stack3A_302, %stack3A_303, %stack3A_304, %stack3A_305, %stack3A_306, %stack3A_307 in 1 : vector<256x1xi32>, vector<256x1xi32>, vector<256x1xi32>, vector<256x1xi32>, vector<256x1xi32>, vector<256x1xi32>, vector<256x1xi32>, vector<256x1xi32>, vector<256x1xi32>, vector<256x1xi32>, vector<256x1xi32>, vector<256x1xi32>, vector<256x1xi32>, vector<256x1xi32>, vector<256x1xi32>, vector<256x1xi32> -> vector<256x16xi32>
    %swap3A = arith.constant 0 : index
    %swap3A_309 = arith.constant 0 : index
    %swap3A_310 = vector.load %arg3[%swap3A, %swap3A_309] : memref<256x16xi32, #tpu.memory_space<vmem>>, vector<256x16xi32>
    tpu.vector_store %arg3[%swap3A, %swap3A_309], %stack3A_308 {strides = array<i32>} : memref<256x16xi32, #tpu.memory_space<vmem>>, vector<256x16xi32>,
    return
  }
  func.func @transform_0(%arg0: i32) -> (i32, i32) {
    %c0_i32 = arith.constant 0 : i32
    %c0_i32_0 = arith.constant 0 : i32
    return %arg0, %c0_i32 : i32, i32
  }
  func.func @transform_1(%arg0: i32) -> (i32, i32) {
    %c0_i32 = arith.constant 0 : i32
    %c0_i32_0 = arith.constant 0 : i32
    return %arg0, %c0_i32 : i32, i32
  }
  func.func @transform_2(%arg0: i32) -> (i32, i32) {
    %c0_i32 = arith.constant 0 : i32
    %c0_i32_0 = arith.constant 0 : i32
    return %arg0, %c0_i32 : i32, i32
  }
}

</mosaic_0001>

<sc_bundles>
// kernel: kernel.6.cloned.1.call-start
scs
__scs_entry_jumppad:
0x0: {  	(pc) =	sbr.rel $0x88, $3  }
0x1: {  	(tag) =	ssettag $0x0;
	lr =	simm.s32 $0x1  }
0x2: {  	[smem:$0x3F9E] =	sst lr;
	_ =	strace $0xD0000000  }
0x3: {  	_ = 	snop  }
0x4: {  	_ = 	snop  }
0x5: {  	_ = 	snop  }
0x6: {  	_ = 	snop  }
0x7: {  	_ = 	snop  }
__scs_overlays_trampoline_lowered:
0x8: {  	[smem:$0x3FAD] =	sst s0  }
0x9: {  	[smem:$0x3FAE] =	sst s1  }
0xa: {  	[smem:$0x3FAF] =	sst s2  }
0xb: {  	[smem:$0x3FB0] =	sst s3  }
0xc: {  	[smem:$0x3FB1] =	sst s4  }
0xd: {  	[smem:$0x3FB2] =	sst s5  }
0xe: {  	[smem:$0x3FB3] =	sst s6  }
0xf: {  	[smem:$0x3FB4] =	sst s7  }
0x10: {  	[smem:$0x3FB5] =	sst s8  }
0x11: {  	[smem:$0x3FB6] =	sst s9;
	s0 =	simm.s32 @!p0 $0x0  }
0x12: {  	s1 =	sld [smem:$0x3F9C];
	s0 =	simm.s32 @p0 $0x1  }
0x13: {  	[smem:$0x3FB7] =	sst s0;
	s0 =	simm.s32 @!p1 $0x0  }
0x14: {  	s2 =	sld [smem:$0x3F9B];
	s0 =	simm.s32 @p1 $0x1  }
0x15: {  	[smem:$0x3FB8] =	sst s0;
	s0 =	simm.s32 @!p2 $0x0  }
0x16: {  	s3 =	sld [smem:$0x3FDB];
	s0 =	simm.s32 @p2 $0x1  }
0x17: {  	s4 =	simm.s32 $0x1BF5;
	[smem:$0x3FBA] =	sst s0  }
0x18: {  	s0 =	sld [smem:$0x3F9D];
	_ =	swait.ge [sflag:s4], $0x0  }
0x19: {  	s7 =	sld [smem:$0x3F9E]  }
0x1a: {  	s8 =	sadd.s32 $0xFFFFE003, lr  }
0x1b: {  	s9 =	sadd.s32 $0xFFFFFEF7, lr;
	s5 =	simm.s32 $0xFFFFFFFF;
	p2 =	slt.u32 s8, $0xFFFFF086  }
0x1c: {  	p1 =	slt.u32 s9, $0xF7A;
	s5 =	simm.s32 @!p2 $0x0  }
0x1d: {  	s5 =	simm.s32 @p1 $0x1;
	p0 =	seq.s32 s7, s2  }
0x1e: {  	s7 =	smul.u32 @!p0 $0xF7A, s2;
	p2 =	seq.s32 @!p0 s5, $0x0  }
0x1f: {  	s9 =	smul.u32 $0xF7A, s1;
	s8 =	simm.s32 @!p0 $0x1BF5;
	p2 =	por !p2, p0  }
0x20: {  	[sflag:s8] =	ssyncset.s32 @!p0 $0xFFFFF086;
	s6 =	sadd.s32 @!p0 s3, s7;
	s7 =	simm.s32 @!p0 $0x108  }
0x21: {  	s3 =	sadd.s32 s3, s9;
	s6 =	sadd.s32 @!p0 $0x88, s6;
	s7 =	simm.s32 @p2 $0x1082  }
0x22: {  	[simem:s7], [sflag:s8] =	dma.local @!p0 [hbm:s6], $0xF7A  }
0x23: {  	s9 =	sor.u32 $0xD0000000, s2;
	s6 =	simm.s32 $0x108;
	_ =	swait.ge @!p0 [sflag:s8], $0x0  }
0x24: {  	s3 =	sadd.s32 $0x88, s3;
	s6 =	simm.s32 @!p1 $0x1082;
	[sflag:s4] =	ssyncset.s32 $0xFFFFF086  }
0x25: {  	[simem:s6], [sflag:s4] =	dma.local [hbm:s3], $0xF7A  }
0x26: {  	[smem:$0x3F9E] =	sst s1;
	(tag) =	ssettag s2;
	_ =	strace s9  }
0x27: {  	s1 =	sld [smem:$0x3FAE]  }
0x28: {  	s2 =	sld [smem:$0x3FAF]  }
0x29: {  	s4 =	sld [smem:$0x3FB1]  }
0x2a: {  	p0 =	seq.s32 s5, $0x0;
	s5 =	sld [smem:$0x3FB2]  }
0x2b: {  	s6 =	sld [smem:$0x3FB3]  }
0x2c: {  	s7 =	sld [smem:$0x3FB4]  }
0x2d: {  	s3 =	simm.s32 $0x108;
	s8 =	sld [smem:$0x3FB5]  }
0x2e: {  	s3 =	simm.s32 @!p0 $0x1082;
	s9 =	sld [smem:$0x3FB6]  }
0x2f: {  	lr =	sadd.s32 s0, s3;
	s0 =	sld [smem:$0x3FAD]  }
0x30: {  	s3 =	sld [smem:$0x3FB0]  }
0x31: {  	[smem:$0x3FB9] =	sst s10  }
0x32: {  	s10 =	sld [smem:$0x3FB7];
	_ =	sdelay $0x3  }
0x33: {  	p0 =	seq.s32 s10, $0x1;
	s10 =	sld [smem:$0x3FB9];
	_ =	sdelay $0x3  }
0x34: {  	[smem:$0x3FB9] =	sst s10  }
0x35: {  	s10 =	sld [smem:$0x3FB8];
	_ =	sdelay $0x3  }
0x36: {  	p1 =	seq.s32 s10, $0x1;
	s10 =	sld [smem:$0x3FB9];
	_ =	sdelay $0x3  }
0x37: {  	[smem:$0x3FB9] =	sst s10  }
0x38: {  	s10 =	sld [smem:$0x3FBA]  }
0x39: {  	_ = 	snop;
	(pc) =	sbr.ind lr, $3  }
0x3a: {  	_ = 	snop  }
0x3b: {  	_ = 	snop  }
0x3c: {  	p2 =	seq.s32 s10, $0x1;
	s10 =	sld [smem:$0x3FB9]  }
0x3d: {  	_ =	shalt  }
0x3e: {  	_ =	shalt  }
0x3f: {  	_ =	shalt  }
0x40: {  	_ =	shalt  }
0x41: {  	_ =	shalt  }
0x42: {  	_ =	shalt  }
0x43: {  	_ =	shalt  }
0x44: {  	_ =	shalt  }
0x45: {  	_ =	shalt  }
0x46: {  	_ =	shalt  }
0x47: {  	_ =	shalt  }
0x48: {  	_ =	shalt  }
0x49: {  	_ =	shalt  }
0x4a: {  	_ =	shalt  }
0x4b: {  	_ =	shalt  }
0x4c: {  	_ =	shalt  }
0x4d: {  	_ =	shalt  }
0x4e: {  	_ =	shalt  }
0x4f: {  	_ =	shalt  }
0x50: {  	_ =	shalt  }
0x51: {  	_ =	shalt  }
0x52: {  	_ =	shalt  }
0x53: {  	_ =	shalt  }
0x54: {  	_ =	shalt  }
0x55: {  	_ =	shalt  }
0x56: {  	_ =	shalt  }
0x57: {  	_ =	shalt  }
0x58: {  	_ =	shalt  }
0x59: {  	_ =	shalt  }
0x5a: {  	_ =	shalt  }
0x5b: {  	_ =	shalt  }
0x5c: {  	_ =	shalt  }
0x5d: {  	_ =	shalt  }
0x5e: {  	_ =	shalt  }
0x5f: {  	_ =	shalt  }
0x60: {  	_ =	shalt  }
0x61: {  	_ =	shalt  }
0x62: {  	_ =	shalt  }
0x63: {  	_ =	shalt  }
0x64: {  	_ =	shalt  }
0x65: {  	_ =	shalt  }
0x66: {  	_ =	shalt  }
0x67: {  	_ =	shalt  }
0x68: {  	_ =	shalt  }
0x69: {  	_ =	shalt  }
0x6a: {  	_ =	shalt  }
0x6b: {  	_ =	shalt  }
0x6c: {  	_ =	shalt  }
0x6d: {  	_ =	shalt  }
0x6e: {  	_ =	shalt  }
0x6f: {  	_ =	shalt  }
0x70: {  	_ =	shalt  }
0x71: {  	_ =	shalt  }
0x72: {  	_ =	shalt  }
0x73: {  	_ =	shalt  }
0x74: {  	_ =	shalt  }
0x75: {  	_ =	shalt  }
0x76: {  	_ =	shalt  }
0x77: {  	_ =	shalt  }
0x78: {  	_ =	shalt  }
0x79: {  	_ =	shalt  }
0x7a: {  	_ =	shalt  }
0x7b: {  	_ =	shalt  }
0x7c: {  	_ =	shalt  }
0x7d: {  	_ =	shalt  }
0x7e: {  	_ =	shalt  }
0x7f: {  	_ =	shalt  }
0x80: {  	_ =	shalt  }
0x81: {  	_ =	shalt  }
0x82: {  	_ =	shalt  }
0x83: {  	_ =	shalt  }
0x84: {  	_ =	shalt  }
0x85: {  	_ =	shalt  }
0x86: {  	_ =	shalt  }
0x87: {  	_ =	shalt  }
.Lfunc_end0:
.L_simem_size_0:
called_computation_lowered:
.L_overlay_start_0:
0x88: {  	s2 =	sld [smem:$0x3FD9]  }
0x89: {  	s3 =	sld [smem:$0x3FFE];
	_ =	sdelay $0x1  }
0x8a: {  	s1 =	srdreg.scid  }
0x8b: {  	s0 =	sand.u32 $0x1, s1  }
0x8c: {  	s14 =	sshll.u32 s0, $0xA;
	s2 =	sadd.s32 s3, s2  }
0x8d: {  	s2 =	sadd.s32 s2, s14  }
0x8e: {  	[smem:$0x3FC5] =	sst s2  }
0x8f: {  	_ = 	snop  }
0x90: {  	s2 =	sld [smem:$0x3FD0];
	_ =	sdelay $0x2  }
0x91: {  	s15 =	simm.s32 $0xA;
	s4 =	simm.s32 $0x10  }
0x92: {  	[smem:s4], [sflag:s15] =	dma.local [hbm:s2], $0x1  }
0x93: {  	_ =	swait.eq [sflag:s15], $0x1  }
0x94: {  	[sflag:s15] =	ssyncset.done $0x0  }
0x95: {  	[sflag:s15] =	ssyncadd.s32 $0xFFFFFFFF  }
0x96: {  	s16 =	sld [smem:$0x10];
	(tm) =	ssettm $0x1  }
0x97: {  	s17 =	sld [smem:$0x3FFB];
	_ =	sdelay $0x3  }
0x98: {  	_ =	strace s17  }
0x99: {  	s3 =	sld [smem:$0x3FFC];
	_ =	sdelay $0x3  }
0x9a: {  	_ =	strace s3  }
0x9b: {  	s3 =	sld [smem:$0x3FFD];
	_ =	sdelay $0x3  }
0x9c: {  	_ =	strace s3  }
0x9d: {  	_ =	strace $0x8FFFFFFF  }
0x9e: {  	s18 =	sld [smem:$0x3FDB];
	_ =	sdelay $0x1  }
0x9f: {  	s19 =	simm.s32 $_scs_section_size  }
0xa0: {  	s5 =	simm.s32 $_size__tile_overlayer_lowered;
	s6 =	simm.s32 $_tile_overlayer_lowered  }
0xa1: {  	s22 =	simm.s32 $0x1BFF;
	s21 =	sshll.u32 s6, $0x1;
	s3 =	sadd.s32 s19, s18  }
0xa2: {  	s7 =	simm.s32 $0x0;
	s20 =	sshll.u32 s5, $0x1;
	s5 =	sadd.s32 s21, s3  }
0xa3: {  	[timem:s7], [sflag:s22] =	dma.local [hbm:s5], s20  }
0xa4: {  	_ =	swait.ge [sflag:s22], s20  }
0xa5: {  	s4 =	ssub.s32 $0x0, s20;
	[sflag:s22] =	ssyncset.done $0x0  }
0xa6: {  	[sflag:s22] =	ssyncadd.s32 s4;
	_ =	sdelay $0x1  }
0xa7: {  	s23 =	simm.s32 $0x1B8B  }
0xa8: {  	_ =	swait.ge [sflag:s23], $0x1  }
0xa9: {  	[sflag:s23] =	ssyncset.done $0x0  }
0xaa: {  	s25 =	simm.s32 $0x1B8E;
	s24 =	sld [smem:$0x3FFE];
	[sflag:s23] =	ssyncadd.s32 $0xFFFFFFFF  }
0xab: {  	s26 =	simm.s32 $execute0_lowered;
	[smem:$0x3FD2] =	sst s25  }
0xac: {  	s5 =	sshll.u32 s26, $0x1;
	_ =	strace $0x80000046;
	[dreg:$0x1] =	wrdreg $0xFFFFFFFF  }
0xad: {  	s28 =	simm.s32 $_size_execute0_lowered;
	s3 =	sadd.s32 s3, s5;
	[dreg:$0x0] =	wrdreg $0x0  }
0xae: {  	s5 =	sshll.u32 s28, $0x1;
	[dreg:$0x2] =	wrdreg s3  }
0xaf: {  	[dreg:$0x3] =	wrdreg s5  }
0xb0: {  	[dreg:$0x4] =	wrdreg $0xC0  }
0xb1: {  	_ =	task [dreg:s7], $0x5FFFF  }
0xb2: {  	[dreg:$0x1] =	wrdreg $0xFFFFFFFF  }
0xb3: {  	[dreg:$0x0] =	wrdreg $0x60  }
0xb4: {  	[dreg:$0x2] =	wrdreg s16  }
0xb5: {  	[dreg:$0x3] =	wrdreg s24  }
0xb6: {  	[dreg:$0x4] =	wrdreg $0x9  }
0xb7: {  	_ =	task.clear_ibuf [dreg:s7], $0x5FFFF;
	_ =	strace $0x90000046  }
0xb8: {  	s29 =	simm.s32 $0x9;
	_ =	strace $0x80000048  }
0xb9: {  	_ =	swait.ge [sflag:s29], $0x1  }
0xba: {  	[sflag:s29] =	ssyncadd.s32 $0xFFFFFFFF  }
0xbb: {  	_ =	strace $0x90000048  }
0xbc: {  	_ =	sfence  }
0xbd: {  	s30 =	sld [smem:$0x0];
	_ =	sdelay $0x2  }
0xbe: {  	s31 =	sshll.u32 s1, $0xD;
	s1 =	sshrl.u32 s1, $0x2  }
0xbf: {  	s3 =	sand.u32 $0x4000, s31;
	s1 =	sadd.s32 s1, s30  }
0xc0: {  	s0 =	sor.u32 s3, s0;
	s1 =	sshll.u32 s1, $0x11  }
0xc1: {  	s0 =	sor.u32 s1, s0  }
0xc2: {  	s0 =	sadd.s32 $0x8F2B, s0  }
0xc3: {  	[sflag:s0] =	ssyncadd.remote.s32 $0x1  }
0xc4: {  	_ =	sfence.sel $0xFFFF  }
0xc5: {  	[dreg:$0x0] =	wrdreg $0xFFFFFFFF;
	(pc) =	sbr.abs _section_cstart, $3  }
0xc6: {  	[dreg:$0x1] =	wrdreg $0xFFFFFFFF  }
0xc7: {  	_ =	task.clear_ibuf [dreg:s7], $0x2FFFF;
	_ =	strace $0x9FFFFFFF  }
0xc8: {  	(tm) =	ssettm $0x7FFFFFFF  }
0xc9: {  	_ =	shalt  }
tec
execute0_lowered:
.L_overlay_start_1:
0x0: {  	(tag) =	ssettag $0x1  }
0x1: {  	s1 =	rddreg [dreg:$0x0]  }
0x2: {  	v0 =	vimm.s32 $0xEFCDAB89;
	s6 =	rddreg [dreg:$0x1];
	v1 =	vimm.s32 $0x67452301;
	v2 =	vimm.s32 $0xDCFE98BA  }
0x3: {  	s4 =	srdreg.scid;
	s3 =	simm.s32 $0x0;
	s2 =	stileid.u32;
	v3 =	vimm.s32 $0x54761032;
	v4 =	vimm.s32 $0xBA98FEDC;
	v5 =	vimm.s32 $0x32107654  }
0x4: {  	v6 =	vimm.s32 $0xFEDCBA98;
	v7 =	vimm.s32 $0x76543210;
	s11 =	simm.s32 $0x80;
	s12 =	simm.s32 $0x400;
	s13 =	simm.s32 $0x1000;
	v0 =	vunpack.c.l.s4.s8 v0  }
0x5: {  	s14 =	simm.s32 $0x1;
	s15 =	simm.s32 $0x2000;
	s16 =	simm.s32 $0x4100;
	v1 =	vunpack.c.l.s4.s8 v1;
	v2 =	vunpack.c.l.s4.s8 v2;
	v3 =	vunpack.c.l.s4.s8 v3  }
0x6: {  	s17 =	simm.s32 $0x2;
	s18 =	simm.s32 $0x3080;
	s19 =	simm.s32 $0x5180;
	v4 =	vunpack.c.l.s4.s8 v4;
	v5 =	vunpack.c.l.s4.s8 v5;
	v6 =	vunpack.c.l.s4.s8 v6  }
0x7: {  	s20 =	simm.s32 $0x3;
	s21 =	simm.s32 $0x5;
	s22 =	simm.s32 $0x4;
	v0 =	vunpack.c.0.s8.s32 v0;
	v1 =	vunpack.c.0.s8.s32 v1;
	v2 =	vunpack.c.0.s8.s32 v2  }
0x8: {  	s23 =	simm.s32 $0x6;
	s24 =	simm.s32 $0x0;
	s7 =	sand.u32 $0x1, s4;
	v3 =	vunpack.c.0.s8.s32 v3;
	v4 =	vunpack.c.0.s8.s32 v4;
	v5 =	vunpack.c.0.s8.s32 v5  }
0x9: {  	[smem:$0x7FF] =	sst s3;
	s30 =	sshll.u32 s2, $0x8;
	v7 =	vunpack.c.l.s4.s8 v7;
	s5 =	sshll.u32 s7, $0x7;
	v0 =	vcombine.low v1, v0  }
0xa: {  	_ =	strace $0x80000047;
	s8 =	ssub.s32 $0x2, s7;
	s4 =	sor.u32 s5, s30;
	v1 =	vunpack.c.0.s8.s32 v6;
	v2 =	vcombine.low v3, v2;
	v3 =	vcombine.low v5, v4  }
0xb: {  	s5 =	sadd.s32 $0x1200, s6;
	s9 =	sshrl.u32 s8, $0x1;
	s31 =	sshll.u32 s4, $0x9;
	v4 =	vunpack.c.0.s8.s32 v7;
	v6 =	vimm.s32 $0x7FFFFFFF;
	v0 =	vand.u32 $0xF, v0  }
0xc: {  	s6 =	sadd.s32 $0x11200, s6;
	s10 =	ssub.s32 s8, s9;
	s7 =	sadd.s32 s1, s31;
	v5 =	vand.u32 $0xF, v1;
	v1 =	vand.u32 $0xF, v2;
	v2 =	vand.u32 $0xF, v3  }
0xd: {  	s9 =	sadd.s32 $0x80, s4;
	s10 =	smax.u32 s10, $0x1;
	s8 =	sadd.s32 $0x10, s7;
	v3 =	vcombine.low v5, v4;
	v4 =	vlaneseq.u32;
	v5 =	vimm.f32 $-1.000000000e+00  }
.LBB2_1:
0xe: {  	[tilespmem:s3], [sflag:$0x1] =	stream.strided.gather [hbm4b:s7+s11], $0x1000, s12, s11, $0x38;
	[tilespmem:$0x6200] =	vst v63  }
0xf: {  	s25 =	simm.s32 $0x0  }
0x10: {  	[tilespmem:s13], [sflag:$0x2] =	stream.strided.gather [hbm4b:s8+s11], $0x1000, s12, s11, $0x38;
	[tilespmem:$0x6200] =	vst v63  }
.LBB2_2:
0x11: {  	_ =	swait.ge [sflag:s14], $0x1000  }
0x12: {  	[sflag:s14] =	ssyncset.done $0x0  }
0x13: {  	v7 =	vimm.f32 $-1.000000000e+00;
	[sflag:s14] =	ssyncadd.s32 $0xFFFFF000  }
0x14: {  	v8 =	vimm.s32 $0x7FFFFFFF;
	[tilespmem:$0x2000] =	vst v7  }
0x15: {  	[tilespmem:$0x4100] =	vst v8  }
0x16: {  	[tilespmem:$0x2010] =	vst v7  }
0x17: {  	[tilespmem:$0x4110] =	vst v8  }
0x18: {  	[tilespmem:$0x2020] =	vst v7  }
0x19: {  	[tilespmem:$0x4120] =	vst v8  }
0x1a: {  	[tilespmem:$0x2030] =	vst v7  }
0x1b: {  	[tilespmem:$0x4130] =	vst v8  }
0x1c: {  	[tilespmem:$0x2040] =	vst v7  }
0x1d: {  	[tilespmem:$0x4140] =	vst v8  }
0x1e: {  	[tilespmem:$0x2050] =	vst v7  }
0x1f: {  	[tilespmem:$0x4150] =	vst v8  }
0x20: {  	[tilespmem:$0x2060] =	vst v7  }
0x21: {  	[tilespmem:$0x4160] =	vst v8  }
0x22: {  	[tilespmem:$0x2070] =	vst v7  }
0x23: {  	[tilespmem:$0x4170] =	vst v8  }
0x24: {  	[tilespmem:$0x2080] =	vst v7  }
0x25: {  	[tilespmem:$0x4180] =	vst v8  }
0x26: {  	s26 =	sshll.u32 s25, $0x1;
	s28 =	sshll.u32 s25, $0x5;
	[tilespmem:$0x2110] =	vst v7  }
0x27: {  	s29 =	simm.s32 $0x0;
	v9 =	vimm.f32 $+Inf;
	v12 =	vimm.s32 $0xFFFFFFFF;
	s26 =	sadd.s32 s4, s26;
	s28 =	sand.u32 $0x60, s28;
	[tilespmem:$0x4210] =	vst v8  }
.LBB2_3:
0x28: {  	s31 =	simm.s32 $0x0  }
0x29: {  	v14 =	vld [tilespmem:s31+$0x2000]  }
0x2a: {  	v11 =	vld [tilespmem:s31+$0x4100];
	_ =	sdelay $0x2  }
0x2b: {  	v13 =	vimm.f32 $-2.000000000e+00;
	s30 =	simm.s32 $0x40;
	v10 =	vimm.s32 $0x7FFFFFFF  }
.LBB2_4:
0x2c: {  	s31 =	sshra.s32 s30, $0x2;
	vm0 =	vlt.f32 v14, v9;
	vm1 =	veq.f32 v14, v9;
	v15 =	vmov v14;
	p0 =	sne.s32 s30, $0x400  }
.Ltmp0:
0x2d: {  	s30 =	sadd.s32 $0x40, s30;
	v14 =	vld [tilespmem:s31+$0x2000];
	vm2 =	vgt.s32 v11, v12;
	vm3 =	veq.f32 v15, v13;
	vm4 =	vlt.s32 v11, v10;
	v16 =	vmovc v11;
	(pc) =	sbr.rel @p0 .LBB2_4-.Ltmp0, $4  }
0x2e: {  	v11 =	vld [tilespmem:s31+$0x4100];
	vm1 =	vmand vm1, vm2;
	vm2 =	vgt.f32 v15, v13;
	vm3 =	vmand vm3, vm4  }
0x2f: {  	vm0 =	vmor vm0, vm1;
	vm1 =	vmor vm2, vm3  }
0x30: {  	vm0 =	vmand vm0, vm1  }
0x31: {  	v13 =	vsel vm0, v15, v13;
	v10 =	vsel vm0, v16, v10  }
0x32: {  	vm0 =	vlt.f32 v14, v9;
	vm1 =	veq.f32 v14, v9  }
0x33: {  	vm3 =	veq.f32 v14, v13;
	vm2 =	vgt.s32 v11, v12;
	vm4 =	vlt.s32 v11, v10  }
0x34: {  	vm12 =	vgt.f32 v14, v13;
	vm1 =	vmand vm1, vm2;
	vm3 =	vmand vm3, vm4  }
0x35: {  	vm0 =	vmor vm0, vm1;
	vm13 =	vmor vm12, vm3  }
0x36: {  	vm0 =	vmand vm0, vm13  }
0x37: {  	v12 =	vsel vm0, v14, v13  }
0x38: {  	v9 =	vperm.xlane v12, v0;
	_ =	sdelay $0x1  }
0x39: {  	v9 =	vmax.f32 v12, v9  }
0x3a: {  	v13 =	vperm.xlane v9, v1;
	_ =	sdelay $0x1  }
0x3b: {  	v9 =	vmax.f32 v9, v13  }
0x3c: {  	v13 =	vperm.xlane v9, v2;
	_ =	sdelay $0x1  }
0x3d: {  	v9 =	vmax.f32 v9, v13  }
0x3e: {  	v13 =	vperm.xlane v9, v3;
	_ =	sdelay $0x1  }
0x3f: {  	v9 =	vmax.f32 v9, v13  }
0x40: {  	v10 =	vsel vm0, v11, v10;
	vm14 =	veq.f32 v12, v9  }
0x41: {  	v10 =	vnsel vm14, $0x7FFFFFFF, v10  }
0x42: {  	v11 =	vperm.xlane v10, v0;
	_ =	sdelay $0x1  }
0x43: {  	vm0 =	vlt.s32 v10, v11  }
0x44: {  	v10 =	vsel vm0, v10, v11  }
0x45: {  	v11 =	vperm.xlane v10, v1;
	_ =	sdelay $0x1  }
0x46: {  	vm0 =	vlt.s32 v10, v11  }
0x47: {  	v10 =	vsel vm0, v10, v11  }
0x48: {  	v11 =	vperm.xlane v10, v2;
	_ =	sdelay $0x1  }
0x49: {  	v13 =	vmov s29;
	s29 =	sadd.s32 $0x1, s29;
	vm0 =	vlt.s32 v10, v11  }
0x4a: {  	p0 =	sne.s32 s29, $0x10;
	v10 =	vsel vm0, v10, v11  }
.Ltmp1:
0x4b: {  	v11 =	vperm.xlane v10, v3;
	(pc) =	sbr.rel @p0 .LBB2_3-.Ltmp1, $4  }
0x4c: {  	_ = 	snop  }
0x4d: {  	vm0 =	vlt.s32 v10, v11  }
0x4e: {  	vm15 =	veq.s32 v13, v4;
	v12 =	vsel vm0, v10, v11  }
0x4f: {  	v7 =	vsel vm15, v9, v7;
	v8 =	vsel vm15, v12, v8  }
0x50: {  	[tilespmem:$0x2000] =	vst v7  }
0x51: {  	[tilespmem:$0x4100] =	vst v8  }
0x52: {  	[tilespmem:$0x2010] =	vst v5  }
0x53: {  	[tilespmem:$0x4110] =	vst v6  }
0x54: {  	[tilespmem:$0x2020] =	vst v5  }
0x55: {  	[tilespmem:$0x4120] =	vst v6  }
0x56: {  	[tilespmem:$0x2030] =	vst v5  }
0x57: {  	[tilespmem:$0x4130] =	vst v6  }
0x58: {  	[tilespmem:$0x2040] =	vst v5  }
0x59: {  	[tilespmem:$0x4140] =	vst v6  }
0x5a: {  	s29 =	sadd.s32 $0x2, s26;
	[tilespmem:$0x2050] =	vst v5  }
0x5b: {  	[tilespmem:$0x4150] =	vst v6;
	p0 =	sge.u32 s29, s9  }
0x5c: {  	[tilespmem:$0x2060] =	vst v5;
	s30 =	sshll.u32 @!p0 s29, $0x4  }
0x5d: {  	[tilespmem:$0x4160] =	vst v6;
	s29 =	sshll.u32 @!p0 s29, $0x9;
	s30 =	sand.u32 @!p0 $0x60, s30  }
0x5e: {  	[tilespmem:$0x2070] =	vst v5;
	s31 =	simm.s32 @!p0 $0x400;
	s29 =	sand.u32 @!p0 $0xFFFF000, s29;
	s30 =	sadd.s32 @!p0 s1, s30  }
0x5f: {  	[tilespmem:$0x4170] =	vst v6;
	s0 =	simm.s32 @!p0 $0x0;
	s29 =	sadd.s32 @!p0 s29, s30;
	s30 =	simm.s32 @!p0 $0x80  }
0x60: {  	[tilespmem:s0], [sflag:$0x1] =	stream.strided.gather @!p0 [hbm4b:s29+s30], $0x1000, s31, s30, $0x38;
	[tilespmem:$0x6200] =	vst v63  }
0x61: {  	p0 =	seq.s32 s25, $0x0  }
0x62: {  	s0 =	simm.s32 @!p0 $0x3  }
0x63: {  	_ =	swait.ge @!p0 [sflag:s0], $0x80  }
0x64: {  	[sflag:s0] =	ssyncset.done @!p0 $0x0  }
0x65: {  	s29 =	sshll.u32 s26, $0x4;
	[sflag:s0] =	ssyncadd.s32 @!p0 $0xFFFFFF80;
	s0 =	simm.s32 @!p0 $0x5  }
0x66: {  	s29 =	sand.u32 $0xFF80, s29;
	_ =	swait.ge @!p0 [sflag:s0], $0x80  }
0x67: {  	s28 =	sor.u32 s28, s29;
	[sflag:s0] =	ssyncset.done @!p0 $0x0  }
0x68: {  	s29 =	simm.s32 $0x0;
	s30 =	sadd.s32 s5, s28;
	[sflag:s0] =	ssyncadd.s32 @!p0 $0xFFFFFF80  }
0x69: {  	[hbm4b:s30+s29] =	stream.linear.scatter [tilespmem:s15], [sflag:$0x3], $0x80, $0x38;
	[tilespmem:$0x6200] =	vst v63  }
0x6a: {  	s31 =	sadd.s32 s6, s28  }
0x6b: {  	[hbm4b:s31+s29] =	stream.linear.scatter [tilespmem:s16], [sflag:$0x5], $0x80, $0x38;
	[tilespmem:$0x6200] =	vst v63  }
0x6c: {  	_ =	swait.ge [sflag:s17], $0x1000  }
0x6d: {  	[sflag:s17] =	ssyncset.done $0x0  }
0x6e: {  	v7 =	vimm.f32 $-1.000000000e+00;
	[sflag:s17] =	ssyncadd.s32 $0xFFFFF000  }
0x6f: {  	v8 =	vimm.s32 $0x7FFFFFFF;
	[tilespmem:$0x3080] =	vst v7  }
0x70: {  	[tilespmem:$0x5180] =	vst v8  }
0x71: {  	[tilespmem:$0x3090] =	vst v7  }
0x72: {  	[tilespmem:$0x5190] =	vst v8  }
0x73: {  	[tilespmem:$0x30A0] =	vst v7  }
0x74: {  	[tilespmem:$0x51A0] =	vst v8  }
0x75: {  	[tilespmem:$0x30B0] =	vst v7  }
0x76: {  	[tilespmem:$0x51B0] =	vst v8  }
0x77: {  	[tilespmem:$0x30C0] =	vst v7  }
0x78: {  	[tilespmem:$0x51C0] =	vst v8  }
0x79: {  	[tilespmem:$0x30D0] =	vst v7  }
0x7a: {  	[tilespmem:$0x51D0] =	vst v8  }
0x7b: {  	[tilespmem:$0x30E0] =	vst v7  }
0x7c: {  	[tilespmem:$0x51E0] =	vst v8  }
0x7d: {  	[tilespmem:$0x30F0] =	vst v7  }
0x7e: {  	[tilespmem:$0x51F0] =	vst v8  }
0x7f: {  	[tilespmem:$0x3100] =	vst v7  }
0x80: {  	[tilespmem:$0x5200] =	vst v8  }
0x81: {  	[tilespmem:$0x3190] =	vst v7  }
0x82: {  	v9 =	vimm.f32 $+Inf;
	v12 =	vimm.s32 $0xFFFFFFFF;
	[tilespmem:$0x5290] =	vst v8  }
.LBB2_7:
0x83: {  	s0 =	simm.s32 $0x0  }
0x84: {  	v14 =	vld [tilespmem:s0+$0x3080]  }
0x85: {  	v11 =	vld [tilespmem:s0+$0x5180];
	_ =	sdelay $0x2  }
0x86: {  	v13 =	vimm.f32 $-2.000000000e+00;
	s30 =	simm.s32 $0x40;
	v10 =	vimm.s32 $0x7FFFFFFF  }
.LBB2_8:
0x87: {  	s0 =	sshra.s32 s30, $0x2;
	vm0 =	vlt.f32 v14, v9;
	vm1 =	veq.f32 v14, v9;
	v15 =	vmov v14;
	p1 =	sne.s32 s30, $0x400  }
.Ltmp2:
0x88: {  	s30 =	sadd.s32 $0x40, s30;
	v14 =	vld [tilespmem:s0+$0x3080];
	vm2 =	vgt.s32 v11, v12;
	vm3 =	veq.f32 v15, v13;
	vm4 =	vlt.s32 v11, v10;
	v16 =	vmovc v11;
	(pc) =	sbr.rel @p1 .LBB2_8-.Ltmp2, $4  }
0x89: {  	v11 =	vld [tilespmem:s0+$0x5180];
	vm1 =	vmand vm1, vm2;
	vm2 =	vgt.f32 v15, v13;
	vm3 =	vmand vm3, vm4  }
0x8a: {  	vm0 =	vmor vm0, vm1;
	vm1 =	vmor vm2, vm3  }
0x8b: {  	vm0 =	vmand vm0, vm1  }
0x8c: {  	v13 =	vsel vm0, v15, v13;
	v10 =	vsel vm0, v16, v10  }
0x8d: {  	vm0 =	vlt.f32 v14, v9;
	vm1 =	veq.f32 v14, v9  }
0x8e: {  	vm3 =	veq.f32 v14, v13;
	vm2 =	vgt.s32 v11, v12;
	vm4 =	vlt.s32 v11, v10  }
0x8f: {  	vm12 =	vgt.f32 v14, v13;
	vm1 =	vmand vm1, vm2;
	vm3 =	vmand vm3, vm4  }
0x90: {  	vm0 =	vmor vm0, vm1;
	vm13 =	vmor vm12, vm3  }
0x91: {  	vm0 =	vmand vm0, vm13  }
0x92: {  	v12 =	vsel vm0, v14, v13  }
0x93: {  	v9 =	vperm.xlane v12, v0;
	_ =	sdelay $0x1  }
0x94: {  	v9 =	vmax.f32 v12, v9  }
0x95: {  	v13 =	vperm.xlane v9, v1;
	_ =	sdelay $0x1  }
0x96: {  	v9 =	vmax.f32 v9, v13  }
0x97: {  	v13 =	vperm.xlane v9, v2;
	_ =	sdelay $0x1  }
0x98: {  	v9 =	vmax.f32 v9, v13  }
0x99: {  	v13 =	vperm.xlane v9, v3;
	_ =	sdelay $0x1  }
0x9a: {  	v9 =	vmax.f32 v9, v13  }
0x9b: {  	v10 =	vsel vm0, v11, v10;
	vm14 =	veq.f32 v12, v9  }
0x9c: {  	v10 =	vnsel vm14, $0x7FFFFFFF, v10  }
0x9d: {  	v11 =	vperm.xlane v10, v0;
	_ =	sdelay $0x1  }
0x9e: {  	vm0 =	vlt.s32 v10, v11  }
0x9f: {  	v10 =	vsel vm0, v10, v11  }
0xa0: {  	v11 =	vperm.xlane v10, v1;
	_ =	sdelay $0x1  }
0xa1: {  	vm0 =	vlt.s32 v10, v11  }
0xa2: {  	v10 =	vsel vm0, v10, v11  }
0xa3: {  	v11 =	vperm.xlane v10, v2;
	_ =	sdelay $0x1  }
0xa4: {  	v13 =	vmov s29;
	s29 =	sadd.s32 $0x1, s29;
	vm0 =	vlt.s32 v10, v11  }
0xa5: {  	p1 =	sne.s32 s29, $0x10;
	v10 =	vsel vm0, v10, v11  }
.Ltmp3:
0xa6: {  	v11 =	vperm.xlane v10, v3;
	(pc) =	sbr.rel @p1 .LBB2_7-.Ltmp3, $4  }
0xa7: {  	_ = 	snop  }
0xa8: {  	vm0 =	vlt.s32 v10, v11  }
0xa9: {  	vm15 =	veq.s32 v13, v4;
	v12 =	vsel vm0, v10, v11  }
0xaa: {  	v7 =	vsel vm15, v9, v7;
	v8 =	vsel vm15, v12, v8  }
0xab: {  	[tilespmem:$0x3080] =	vst v7  }
0xac: {  	[tilespmem:$0x5180] =	vst v8  }
0xad: {  	[tilespmem:$0x3090] =	vst v5  }
0xae: {  	[tilespmem:$0x5190] =	vst v6  }
0xaf: {  	[tilespmem:$0x30A0] =	vst v5  }
0xb0: {  	[tilespmem:$0x51A0] =	vst v6  }
0xb1: {  	[tilespmem:$0x30B0] =	vst v5  }
0xb2: {  	[tilespmem:$0x51B0] =	vst v6  }
0xb3: {  	[tilespmem:$0x30C0] =	vst v5  }
0xb4: {  	[tilespmem:$0x51C0] =	vst v6  }
0xb5: {  	s0 =	sadd.s32 $0x3, s26;
	[tilespmem:$0x30D0] =	vst v5  }
0xb6: {  	[tilespmem:$0x51D0] =	vst v6;
	p1 =	sge.u32 s0, s9  }
0xb7: {  	[tilespmem:$0x30E0] =	vst v5;
	s26 =	sshll.u32 @!p1 s0, $0x4  }
0xb8: {  	[tilespmem:$0x51E0] =	vst v6;
	s0 =	sshll.u32 @!p1 s0, $0x9;
	s26 =	sand.u32 @!p1 $0x70, s26  }
0xb9: {  	[tilespmem:$0x30F0] =	vst v5;
	s29 =	simm.s32 @!p1 $0x400;
	s0 =	sand.u32 @!p1 $0xFFFF000, s0;
	s26 =	sadd.s32 @!p1 s1, s26  }
0xba: {  	[tilespmem:$0x51F0] =	vst v6;
	s30 =	simm.s32 @!p1 $0x1000;
	s0 =	sadd.s32 @!p1 s0, s26;
	s26 =	simm.s32 @!p1 $0x80  }
0xbb: {  	[tilespmem:s30], [sflag:$0x2] =	stream.strided.gather @!p1 [hbm4b:s0+s26], $0x1000, s29, s26, $0x38;
	[tilespmem:$0x6200] =	vst v63  }
0xbc: {  	s0 =	simm.s32 @!p0 $0x4  }
0xbd: {  	_ =	swait.ge @!p0 [sflag:s0], $0x80  }
0xbe: {  	[sflag:s0] =	ssyncset.done @!p0 $0x0  }
0xbf: {  	[sflag:s0] =	ssyncadd.s32 @!p0 $0xFFFFFF80;
	s0 =	simm.s32 @!p0 $0x6  }
0xc0: {  	_ =	swait.ge @!p0 [sflag:s0], $0x80  }
0xc1: {  	s25 =	sadd.s32 $0x1, s25;
	[sflag:s0] =	ssyncset.done @!p0 $0x0  }
0xc2: {  	[sflag:s0] =	ssyncadd.s32 @!p0 $0xFFFFFF80;
	p0 =	sne.s32 s25, $0x40  }
.Ltmp4:
0xc3: {  	s29 =	sor.u32 $0x10, s28;
	(pc) =	sbr.rel @p0 .LBB2_2-.Ltmp4, $4  }
0xc4: {  	s30 =	sadd.s32 s5, s29  }
0xc5: {  	[hbm4b:s30+s3] =	stream.linear.scatter [tilespmem:s18], [sflag:$0x4], $0x80, $0x38;
	[tilespmem:$0x6200] =	vst v63  }
0xc6: {  	s31 =	sadd.s32 s6, s29  }
0xc7: {  	[hbm4b:s31+s3] =	stream.linear.scatter [tilespmem:s19], [sflag:$0x6], $0x80, $0x38;
	[tilespmem:$0x6200] =	vst v63  }
0xc8: {  	_ =	swait.ge [sflag:s20], $0x80  }
0xc9: {  	[sflag:s20] =	ssyncset.done $0x0  }
0xca: {  	[sflag:s20] =	ssyncadd.s32 $0xFFFFFF80  }
0xcb: {  	_ =	swait.ge [sflag:s21], $0x80  }
0xcc: {  	[sflag:s21] =	ssyncset.done $0x0  }
0xcd: {  	s24 =	sadd.s32 $0x1, s24;
	[sflag:s21] =	ssyncadd.s32 $0xFFFFFF80  }
0xce: {  	p0 =	sne.s32 s24, s10;
	_ =	swait.ge [sflag:s22], $0x80  }
.Ltmp5:
0xcf: {  	[sflag:s22] =	ssyncset.done $0x0;
	(pc) =	sbr.rel @p0 .LBB2_1-.Ltmp5, $4  }
0xd0: {  	[sflag:s22] =	ssyncadd.s32 $0xFFFFFF80  }
0xd1: {  	_ =	swait.ge [sflag:s23], $0x80  }
0xd2: {  	[sflag:s23] =	ssyncset.done $0x0  }
0xd3: {  	[sflag:s23] =	ssyncadd.s32 $0xFFFFFF80  }
0xd4: {  	_ =	sfence.sel $0x180000  }
0xd5: {  	[bflag:$0x0] =	sbarrier.arrive $0xFFFF  }
0xd6: {  	_ =	strace $0x90000047  }
0xd7: {  	[bflag:$0x2] =	sbarrier.arrive $0xFFFF  }
0xd8: {  	p0 =	sne.s32 s2, $0x0;
	s0 =	rddreg [dreg:$0x2]  }
0xd9: {  	s0 =	sadd.s32 @!p0 $0x100000, s0  }
0xda: {  	[sflag:s0] =	ssyncadd.tile.s32 @!p0 $0x1;
	_ =	shalt  }
.Lfunc_end2:
_tile_overlayer_lowered:
.L_overlay_start_2:
0xdb: {  	(tag) =	ssettag $0x2  }
0xdc: {  	s0 =	rddreg [dreg:$0x0];
	s2 =	stileid.u32  }
0xdd: {  	s1 =	rddreg [dreg:$0x1];
	p0 =	sne.s32 s2, $0x0  }
0xde: {  	s3 =	rddreg [dreg:$0x2];
	[bflag:$0x3] =	sbarrier.arrive $0xFFFF;
	s2 =	simm.s32 @!p0 $0x1C07  }
0xdf: {  	[timem:s3], [sflag:s2] =	dma.local @!p0 [hbm:s0], s1  }
0xe0: {  	s0 =	simm.s32 @!p0 $0x7  }
0xe1: {  	_ =	swait.ge @!p0 [sflag:s0], s1  }
0xe2: {  	s1 =	ssub.s32 @!p0 $0x0, s1;
	[sflag:s0] =	ssyncset.done @!p0 $0x0  }
0xe3: {  	[sflag:s0] =	ssyncadd.s32 @!p0 s1  }
0xe4: {  	[bflag:$0x3] =	sbarrier.arrive $0xFFFF  }
0xe5: {  	_ =	shalt  }

</sc_bundles>
